<compile_context>
chip_gen: v7x
topology: tpu7x:2x2x1
jax: 0.10.2.dev20260603
libtpu: 0.0.44.dev20260713+nightly
codegen_flags: <defaults>
</compile_context>

<pallas_src>
import functools

import jax
import jax.numpy as jnp
from jax import lax
from jax.experimental import pallas as pl
from jax.experimental.pallas import tpu as pltpu
from jax.experimental.pallas import tpu_sc as plsc

N = 10000
NPAD = 10240
E = 320000
EPAD = 327680
ECH = EPAD // 128
CPT = ECH // 16
CPW = ECH // 32
H = 128
PE, GOS, PROT = 128, 128, 480

_mesh = plsc.VectorSubcoreMesh(core_axis_name="c", subcore_axis_name="s")


def _act(v):
    return jnp.where(v >= 0, v, 0.1 * v)



@functools.partial(
    pl.kernel,
    out_type=jax.ShapeDtypeStruct((2, NPAD), jnp.float32),
    mesh=_mesh,
    scratch_types=[
        pltpu.VMEM((CPW, 128), jnp.int32),
        pltpu.VMEM((128,), jnp.float32),
        pltpu.VMEM((640,), jnp.float32),
        pltpu.VMEM_SHARED((NPAD,), jnp.float32),
    ],
)
def _deg_kernel(dst_hbm, out_hbm, idx_v, ones_v, zero_v, deg_sh):
    c = lax.axis_index("c")
    s = lax.axis_index("s")
    for k in range(8):
        ones_v[pl.ds(k * 16, 16)] = jnp.ones((16,), jnp.float32)
    for k in range(40):
        zero_v[pl.ds(k * 16, 16)] = jnp.zeros((16,), jnp.float32)
    pltpu.sync_copy(zero_v, deg_sh.at[pl.ds(s * 640, 640)])
    base = (c * 16 + s) * CPW
    pltpu.sync_copy(dst_hbm.at[pl.ds(base, CPW)], idx_v)
    plsc.subcore_barrier()

    def body(j, carry):
        pltpu.sync_copy(ones_v, deg_sh.at[idx_v.at[j]], add=True)
        return carry

    lax.fori_loop(0, CPW, body, 0)
    plsc.subcore_barrier()
    pltpu.sync_copy(deg_sh.at[pl.ds(s * 640, 640)],
                    out_hbm.at[c, pl.ds(s * 640, 640)])



@functools.partial(
    pl.kernel,
    out_type=jax.ShapeDtypeStruct((2, NPAD, H), jnp.float32),
    mesh=_mesh,
    scratch_types=[
        pltpu.VMEM((32, 128), jnp.int32),
        pltpu.VMEM((32, 128), jnp.int32),
        pltpu.VMEM((128, H), jnp.float32),
        pltpu.VMEM_SHARED((NPAD, H), jnp.float32),
        pltpu.SemaphoreType.DMA,
    ],
)
def _edge_kernel(table_hbm, init_hbm, src_hbm, dst_hbm, out_hbm,
                 src_v, dst_v, rows_v, acc_sh, sem):
    c = lax.axis_index("c")
    s = lax.axis_index("s")
    pltpu.sync_copy(init_hbm.at[c, pl.ds(s * 640, 640)],
                    acc_sh.at[pl.ds(s * 640, 640)])
    plsc.subcore_barrier()

    def outer(b, carry):
        base = s * CPT + b * 32
        pltpu.sync_copy(src_hbm.at[c, pl.ds(base, 32)], src_v)
        pltpu.sync_copy(dst_hbm.at[pl.ds(base, 32)], dst_v)

        def body(j, carry2):
            pltpu.async_copy(table_hbm.at[src_v.at[j]], rows_v, sem).wait()
            pltpu.sync_copy(rows_v, acc_sh.at[dst_v.at[j]], add=True)
            return carry2

        lax.fori_loop(0, 32, body, 0)
        return carry

    lax.fori_loop(0, CPT // 32, outer, 0)
    plsc.subcore_barrier()
    pltpu.sync_copy(acc_sh.at[pl.ds(s * 640, 640)],
                    out_hbm.at[c, pl.ds(s * 640, 640)])



def _enc_body(x_ref, xft_ref, deg_ref,
              wpe_ref, bpe_ref, wgos_ref, bgos_ref, wprot_ref, bprot_ref,
              wft_ref, bft_ref, wconv_ref, wconvo_ref,
              table_ref, init_ref, dinv_ref):
    xb = x_ref[...]
    h0 = _act(jnp.dot(xb[:, :PE], wpe_ref[...],
                      preferred_element_type=jnp.float32) + bpe_ref[...])
    h0 += _act(jnp.dot(xb[:, PE:PE + GOS], wgos_ref[...],
                       preferred_element_type=jnp.float32) + bgos_ref[...])
    h0 += _act(jnp.dot(xb[:, PE + GOS:PE + GOS + PROT], wprot_ref[...],
                       preferred_element_type=jnp.float32) + bprot_ref[...])
    pre = jnp.dot(xft_ref[...], wft_ref[...],
                  preferred_element_type=jnp.float32) + bft_ref[...]
    o0 = (_act(pre[:, 0:128]) + _act(pre[:, 128:256])
          + _act(pre[:, 256:384]) + _act(pre[:, 384:512]))
    xw_h = jnp.dot(h0, wconv_ref[...], preferred_element_type=jnp.float32)
    xw_o = jnp.dot(o0, wconvo_ref[...], preferred_element_type=jnp.float32)
    deg = deg_ref[0] + deg_ref[1] + 2.0
    dinv = lax.rsqrt(deg)
    th = xw_h * dinv
    to = xw_o * dinv
    table_ref[0] = th
    table_ref[1] = to
    init_ref[0] = 2.0 * th
    init_ref[1] = 2.0 * to
    dinv_ref[...] = dinv


_BM = 640


def _enc_call(xp, xftp, deg2, W_pe, b_pe, W_gos, b_gos, W_prot, b_prot,
              Wft, bft, W_conv, W_convo):
    grid = NPAD // _BM
    full = lambda i: (0, 0)
    return pl.pallas_call(
        _enc_body,
        grid=(grid,),
        in_specs=[
            pl.BlockSpec((_BM, PE + GOS + PROT), lambda i: (i, 0)),
            pl.BlockSpec((_BM, 64), lambda i: (i, 0)),
            pl.BlockSpec((2, _BM, 1), lambda i: (0, i, 0)),
            pl.BlockSpec((PE, H), full), pl.BlockSpec((1, H), full),
            pl.BlockSpec((GOS, H), full), pl.BlockSpec((1, H), full),
            pl.BlockSpec((PROT, H), full), pl.BlockSpec((1, H), full),
            pl.BlockSpec((64, 512), full), pl.BlockSpec((1, 512), full),
            pl.BlockSpec((H, H), full), pl.BlockSpec((H, H), full),
        ],
        out_specs=[
            pl.BlockSpec((2, _BM, H), lambda i: (0, i, 0)),
            pl.BlockSpec((2, _BM, H), lambda i: (0, i, 0)),
            pl.BlockSpec((_BM, 1), lambda i: (i, 0)),
        ],
        out_shape=[
            jax.ShapeDtypeStruct((2, NPAD, H), jnp.float32),
            jax.ShapeDtypeStruct((2, NPAD, H), jnp.float32),
            jax.ShapeDtypeStruct((NPAD, 1), jnp.float32),
        ],
    )(xp, xftp, deg2, W_pe, b_pe, W_gos, b_gos, W_prot, b_prot,
      Wft, bft, W_conv, W_convo)



def _head_body(acc_ref, dinv_ref, bconv_ref, bconvo_ref,
               wfls_ref, bfls_ref, wdrug_ref, bdrug_ref, wdis_ref, bdis_ref,
               wo4d_ref, wo4g_ref, bo4_ref, out_ref):
    dinv = dinv_ref[...]
    h = _act(acc_ref[0] * dinv + bconv_ref[...])
    ho = _act(acc_ref[1] * dinv + bconvo_ref[...])
    z = _act(jnp.dot(h, wfls_ref[:H], preferred_element_type=jnp.float32)
             + jnp.dot(ho, wfls_ref[H:], preferred_element_type=jnp.float32)
             + bfls_ref[...])
    zd = _act(jnp.dot(z, wdrug_ref[...], preferred_element_type=jnp.float32)
              + bdrug_ref[...])
    zg = _act(jnp.dot(z, wdis_ref[...], preferred_element_type=jnp.float32)
              + bdis_ref[...])
    out_ref[...] = (jnp.dot(zd, wo4d_ref[...], preferred_element_type=jnp.float32)
                    + jnp.dot(zg, wo4g_ref[...], preferred_element_type=jnp.float32)
                    + bo4_ref[...])


_BH = 1000


def _head_call(acc2, dinv, b_conv, b_convo, W_fls, b_fls,
               W_drug, b_drug, W_dis, b_dis, Wo4d, Wo4g, bo4):
    grid = N // _BH
    full = lambda i: (0, 0)
    return pl.pallas_call(
        _head_body,
        grid=(grid,),
        in_specs=[
            pl.BlockSpec((2, _BH, H), lambda i: (0, i, 0)),
            pl.BlockSpec((_BH, 1), lambda i: (i, 0)),
            pl.BlockSpec((1, H), full), pl.BlockSpec((1, H), full),
            pl.BlockSpec((2 * H, H), full), pl.BlockSpec((1, H), full),
            pl.BlockSpec((H, H), full), pl.BlockSpec((1, H), full),
            pl.BlockSpec((H, H), full), pl.BlockSpec((1, H), full),
            pl.BlockSpec((H, 4), full), pl.BlockSpec((H, 4), full),
            pl.BlockSpec((1, 4), full),
        ],
        out_specs=pl.BlockSpec((_BH, 4), lambda i: (i, 0)),
        out_shape=jax.ShapeDtypeStruct((N, 4), jnp.float32),
    )(acc2, dinv, b_conv, b_convo, W_fls, b_fls,
      W_drug, b_drug, W_dis, b_dis, Wo4d, Wo4g, bo4)



def kernel(x, x_ft, edge_index, W_pe, b_pe, W_gos, b_gos, W_prot, b_prot,
           W_tr, b_tr, W_pr, b_pr, W_eff, b_eff, W_int, b_int,
           W_conv, b_conv, W_convo, b_convo, W_fls, b_fls,
           W_drug, b_drug, W_dis, b_dis, W_odrug, b_odrug, W_odis, b_odis):
    src = edge_index[0].astype(jnp.int32)
    dst = edge_index[1].astype(jnp.int32)
    sent = N + (jnp.arange(EPAD - E, dtype=jnp.int32) % (NPAD - N))
    srcp = jnp.concatenate([src, sent]).reshape(ECH, 128)
    dstp = jnp.concatenate([dst, sent]).reshape(ECH, 128)
    src2 = jnp.stack([srcp, srcp + NPAD])

    deg2 = _deg_kernel(dstp)

    xp = jnp.pad(x, ((0, NPAD - N), (0, 0)))
    xftp = jnp.pad(x_ft, ((0, NPAD - N), (0, 64 - 54)))
    Wft = jnp.zeros((64, 512), jnp.float32)
    Wft = Wft.at[0:3, 0:128].set(W_tr).at[3:6, 128:256].set(W_pr)
    Wft = Wft.at[6:30, 256:384].set(W_eff).at[30:54, 384:512].set(W_int)
    bft = jnp.concatenate([b_tr, b_pr, b_eff, b_int]).reshape(1, 512)

    table2, init2, dinv = _enc_call(
        xp, xftp, deg2.reshape(2, NPAD, 1),
        W_pe, b_pe.reshape(1, H), W_gos, b_gos.reshape(1, H),
        W_prot, b_prot.reshape(1, H), Wft, bft, W_conv, W_convo)

    acc2 = _edge_kernel(table2.reshape(2 * NPAD, H), init2, src2, dstp)

    Wo4d = jnp.pad(W_odrug, ((0, 0), (0, 2)))
    Wo4g = jnp.pad(W_odis, ((0, 0), (2, 0)))
    bo4 = jnp.concatenate([b_odrug, b_odis]).reshape(1, 4)
    return _head_call(acc2, dinv, b_conv.reshape(1, H), b_convo.reshape(1, H),
                      W_fls, b_fls.reshape(1, H), W_drug, b_drug.reshape(1, H),
                      W_dis, b_dis.reshape(1, H), Wo4d, Wo4g, bo4)

# --- scband reference (transcript-rebuilt; emitter-appended) ---
"""Pipeline reference for scband-mpnn-38208029065464 (READ-ONLY COPY).

The authoritative reference and input builder live on the scoring server;
editing this copy changes nothing except your own understanding.
"""

import jax, jax.numpy as jnp
import numpy as np

N = 10000
E = 320000
PE, GOS, PROT = 128, 128, 480
H = 128

def _lin(key, fi, fo):
    s = 1.0 / np.sqrt(fi)
    kw, kb = jax.random.split(key)
    W = jax.random.uniform(kw, (fi, fo), minval=-s, maxval=s, dtype=jnp.float32)
    b = jax.random.uniform(kb, (fo,), minval=-s, maxval=s, dtype=jnp.float32)
    return W, b

def setup_inputs(seed: int = 0):
    key = jax.random.key(seed)
    ks = jax.random.split(key, 20)
    inp = {}
    inp["x"] = jax.random.normal(ks[0], (N, PE + GOS + PROT), dtype=jnp.float32)
    inp["x_ft"] = jax.random.normal(ks[1], (N, 54), dtype=jnp.float32)
    inp["edge_index"] = jax.random.randint(ks[2], (2, E), 0, N)
    inp["W_pe"], inp["b_pe"] = _lin(ks[3], PE, H)
    inp["W_gos"], inp["b_gos"] = _lin(ks[4], GOS, H)
    inp["W_prot"], inp["b_prot"] = _lin(ks[5], PROT, H)
    inp["W_tr"], inp["b_tr"] = _lin(ks[6], 3, H)
    inp["W_pr"], inp["b_pr"] = _lin(ks[7], 3, H)
    inp["W_eff"], inp["b_eff"] = _lin(ks[8], 24, H)
    inp["W_int"], inp["b_int"] = _lin(ks[9], 24, H)
    inp["W_conv"], inp["b_conv"] = _lin(ks[10], H, H)
    inp["W_convo"], inp["b_convo"] = _lin(ks[11], H, H)
    inp["W_fls"], inp["b_fls"] = _lin(ks[12], 2 * H, H)
    inp["W_drug"], inp["b_drug"] = _lin(ks[13], H, H)
    inp["W_dis"], inp["b_dis"] = _lin(ks[14], H, H)
    inp["W_odrug"], inp["b_odrug"] = _lin(ks[15], H, 2)
    inp["W_odis"], inp["b_odis"] = _lin(ks[16], H, 2)
    return inp

def _act(v):
    return jax.nn.leaky_relu(v, 0.1)

def _gcn(xh, src, dst, W, b):
    # GCNConv with improved=True: self-loop weight 2.0
    n = xh.shape[0]
    xw = xh @ W
    deg = jax.ops.segment_sum(jnp.ones(src.shape[0], jnp.float32), dst, num_segments=n) + 2.0
    dinv = jax.lax.rsqrt(deg)
    coef = (dinv[src] * dinv[dst])[:, None]
    agg = jax.ops.segment_sum(xw[src] * coef, dst, num_segments=n)
    agg = agg + xw * (2.0 * dinv * dinv)[:, None]
    return agg + b

def reference(x, x_ft, edge_index, W_pe, b_pe, W_gos, b_gos, W_prot, b_prot, W_tr, b_tr, W_pr, b_pr, W_eff, b_eff, W_int, b_int, W_conv, b_conv, W_convo, b_convo, W_fls, b_fls, W_drug, b_drug, W_dis, b_dis, W_odrug, b_odrug, W_odis, b_odis):
    src, dst = edge_index[0], edge_index[1]
    pe = x[:, :PE]
    gos = x[:, PE:PE + GOS]
    prot = x[:, PE + GOS:PE + GOS + PROT]
    h0 = _act(pe @ W_pe + b_pe) + _act(gos @ W_gos + b_gos) + _act(prot @ W_prot + b_prot)
    h = _act(_gcn(h0, src, dst, W_conv, b_conv))
    tr = x_ft[:, 0:3]
    pr = x_ft[:, 3:6]
    eff = x_ft[:, 6:30]
    itc = x_ft[:, 30:54]
    o0 = _act(tr @ W_tr + b_tr) + _act(pr @ W_pr + b_pr) + _act(eff @ W_eff + b_eff) + _act(itc @ W_int + b_int)
    ho = _act(_gcn(o0, src, dst, W_convo, b_convo))
    z = _act(jnp.concatenate([h, ho], axis=1) @ W_fls + b_fls)
    d = _act(z @ W_drug + b_drug) @ W_odrug + b_odrug
    g = _act(z @ W_dis + b_dis) @ W_odis + b_odis
    return jnp.concatenate([d, g], axis=1)

if __name__ == "__main__":
    import jax
    _d = setup_inputs()
    print(jax.jit(kernel)(*tuple(_d.values())))

</pallas_src>

<mosaic_0001>
#map = affine_map<(d0, d1) -> (0, 0)>
#map1 = affine_map<(d0, d1) -> (0, 0, 0)>
module attributes {stable_mosaic.version = 14 : i64} {
  func.func @_edge_kernel(%arg0: i32, %arg1: i32, %arg2: memref<20480x128xf32, #tpu.memory_space<hbm>>, %arg3: memref<2x10240x128xf32, #tpu.memory_space<hbm>>, %arg4: memref<2x2560x128xi32, #tpu.memory_space<hbm>>, %arg5: memref<2560x128xi32, #tpu.memory_space<hbm>>, %arg6: memref<2x10240x128xf32, #tpu.memory_space<hbm>>, %arg7: memref<32x128xi32, #tpu.memory_space<vmem>>, %arg8: memref<32x128xi32, #tpu.memory_space<vmem>>, %arg9: memref<128x128xf32, #tpu.memory_space<vmem>>, %arg10: memref<10240x128xf32, #tpu.memory_space<vmem_shared>>, %arg11: memref<!tpu.dma_semaphore, #tpu.memory_space<semaphore_mem>>) attributes {dimension_semantics = [#tpu.dimension_semantics<core_parallel>, #tpu.dimension_semantics<subcore_parallel>], iteration_bounds = array<i64: 2, 16>, scalar_prefetch = 0 : i64, scratch_operands = 5 : i64, tpu.core_type = #tpu.core_type<sc_vector_subcore>, window_params = [{transform_indices = #map}, {transform_indices = #map1}, {transform_indices = #map1}, {transform_indices = #map}, {transform_indices = #map1}]} {
    %mul3A = arith.constant 640 : i32
    %mul3A_0 = arith.muli %arg1, %mul3A : i32
    %mul3A_1 = arith.constant 640 : i32
    %mul3A_2 = arith.muli %arg1, %mul3A_1 : i32
    "tpu.region"() ({
      %run_scoped3A = tpu.sem_alloc : memref<!tpu.dma_semaphore, #tpu.memory_space<semaphore_mem>>
      %dma_start3A = arith.constant 0 : i32
      %dma_start3A_13 = tpu.memref_slice %arg10[%mul3A_2, %dma_start3A] : memref<10240x128xf32, #tpu.memory_space<vmem_shared>> -> memref<640x128xf32, #tpu.memory_space<vmem_shared>>
      %dma_start3A_14 = arith.constant 0 : i32
      %dma_start3A_15 = tpu.memref_slice %arg3[%arg0, %mul3A_0, %dma_start3A_14] : memref<2x10240x128xf32, #tpu.memory_space<hbm>> -> memref<1x640x128xf32, #tpu.memory_space<hbm>>
      %dma_start3A_16 = tpu.memref_squeeze %dma_start3A_15 : memref<1x640x128xf32, #tpu.memory_space<hbm>> -> memref<640x128xf32, #tpu.memory_space<hbm>>
      tpu.enqueue_dma source(%dma_start3A_16 : memref<640x128xf32, #tpu.memory_space<hbm>>) target(%dma_start3A_13 : memref<640x128xf32, #tpu.memory_space<vmem_shared>>) target_semaphore(%run_scoped3A : memref<!tpu.dma_semaphore, #tpu.memory_space<semaphore_mem>>)
      %dma_wait3A = arith.constant 0 : i32
      %dma_wait3A_17 = tpu.memref_slice %arg10[%mul3A_2, %dma_wait3A] : memref<10240x128xf32, #tpu.memory_space<vmem_shared>> -> memref<640x128xf32, #tpu.memory_space<vmem_shared>>
      %dma_wait3A_18 = arith.constant 0 : i32
      %dma_wait3A_19 = tpu.memref_slice %arg3[%arg0, %mul3A_0, %dma_wait3A_18] : memref<2x10240x128xf32, #tpu.memory_space<hbm>> -> memref<1x640x128xf32, #tpu.memory_space<hbm>>
      %dma_wait3A_20 = tpu.memref_squeeze %dma_wait3A_19 : memref<1x640x128xf32, #tpu.memory_space<hbm>> -> memref<640x128xf32, #tpu.memory_space<hbm>>
      tpu.wait_dma2 semaphore(%run_scoped3A : memref<!tpu.dma_semaphore, #tpu.memory_space<semaphore_mem>>) src(%dma_wait3A_20 : memref<640x128xf32, #tpu.memory_space<hbm>>) dst(%dma_wait3A_17 : memref<640x128xf32, #tpu.memory_space<vmem_shared>>)
      tpu.yield
    }) : () -> ()
    %barrier3A = arith.constant 0 : index
    tpu.barrier barrier_id(%barrier3A)
    %scan3A = arith.constant 0 : i32
    %scan3A_3 = arith.constant 0 : i32
    %scan3A_4 = arith.constant 5 : i32
    %scan3A_5 = arith.addi %scan3A_3, %scan3A_4 : i32
    %scan3A_6 = arith.constant 1 : i32
    scf.for %scan3A_13 = %scan3A_3 to %scan3A_5 step %scan3A_6  : i32 {
      %mul3A_14 = arith.constant 160 : i32
      %mul3A_15 = arith.muli %arg1, %mul3A_14 : i32
      %mul3A_16 = arith.constant 32 : i32
      %mul3A_17 = arith.muli %scan3A_13, %mul3A_16 : i32
      %add3A = arith.addi %mul3A_15, %mul3A_17 : i32
      "tpu.region"() ({
        %run_scoped3A = tpu.sem_alloc : memref<!tpu.dma_semaphore, #tpu.memory_space<semaphore_mem>>
        %dma_start3A = arith.constant 0 : i32
        %dma_start3A_24 = tpu.memref_slice %arg4[%arg0, %add3A, %dma_start3A] : memref<2x2560x128xi32, #tpu.memory_space<hbm>> -> memref<1x32x128xi32, #tpu.memory_space<hbm>>
        %dma_start3A_25 = tpu.memref_squeeze %dma_start3A_24 : memref<1x32x128xi32, #tpu.memory_space<hbm>> -> memref<32x128xi32, #tpu.memory_space<hbm>>
        %dma_start3A_26 = arith.constant 0 : i32
        %dma_start3A_27 = tpu.memref_slice %arg4[%arg0, %add3A, %dma_start3A_26] : memref<2x2560x128xi32, #tpu.memory_space<hbm>> -> memref<1x32x128xi32, #tpu.memory_space<hbm>>
        %dma_start3A_28 = tpu.memref_squeeze %dma_start3A_27 : memref<1x32x128xi32, #tpu.memory_space<hbm>> -> memref<32x128xi32, #tpu.memory_space<hbm>>
        tpu.enqueue_dma source(%dma_start3A_28 : memref<32x128xi32, #tpu.memory_space<hbm>>) target(%arg7 : memref<32x128xi32, #tpu.memory_space<vmem>>) target_semaphore(%run_scoped3A : memref<!tpu.dma_semaphore, #tpu.memory_space<semaphore_mem>>)
        %dma_wait3A = arith.constant 0 : i32
        %dma_wait3A_29 = tpu.memref_slice %arg4[%arg0, %add3A, %dma_wait3A] : memref<2x2560x128xi32, #tpu.memory_space<hbm>> -> memref<1x32x128xi32, #tpu.memory_space<hbm>>
        %dma_wait3A_30 = tpu.memref_squeeze %dma_wait3A_29 : memref<1x32x128xi32, #tpu.memory_space<hbm>> -> memref<32x128xi32, #tpu.memory_space<hbm>>
        %dma_wait3A_31 = arith.constant 0 : i32
        %dma_wait3A_32 = tpu.memref_slice %arg4[%arg0, %add3A, %dma_wait3A_31] : memref<2x2560x128xi32, #tpu.memory_space<hbm>> -> memref<1x32x128xi32, #tpu.memory_space<hbm>>
        %dma_wait3A_33 = tpu.memref_squeeze %dma_wait3A_32 : memref<1x32x128xi32, #tpu.memory_space<hbm>> -> memref<32x128xi32, #tpu.memory_space<hbm>>
        tpu.wait_dma2 semaphore(%run_scoped3A : memref<!tpu.dma_semaphore, #tpu.memory_space<semaphore_mem>>) src(%dma_wait3A_33 : memref<32x128xi32, #tpu.memory_space<hbm>>) dst(%arg7 : memref<32x128xi32, #tpu.memory_space<vmem>>)
        tpu.yield
      }) : () -> ()
      "tpu.region"() ({
        %run_scoped3A = tpu.sem_alloc : memref<!tpu.dma_semaphore, #tpu.memory_space<semaphore_mem>>
        %dma_start3A = arith.constant 0 : i32
        %dma_start3A_24 = tpu.memref_slice %arg5[%add3A, %dma_start3A] : memref<2560x128xi32, #tpu.memory_space<hbm>> -> memref<32x128xi32, #tpu.memory_space<hbm>>
        %dma_start3A_25 = arith.constant 0 : i32
        %dma_start3A_26 = tpu.memref_slice %arg5[%add3A, %dma_start3A_25] : memref<2560x128xi32, #tpu.memory_space<hbm>> -> memref<32x128xi32, #tpu.memory_space<hbm>>
        tpu.enqueue_dma source(%dma_start3A_26 : memref<32x128xi32, #tpu.memory_space<hbm>>) target(%arg8 : memref<32x128xi32, #tpu.memory_space<vmem>>) target_semaphore(%run_scoped3A : memref<!tpu.dma_semaphore, #tpu.memory_space<semaphore_mem>>)
        %dma_wait3A = arith.constant 0 : i32
        %dma_wait3A_27 = tpu.memref_slice %arg5[%add3A, %dma_wait3A] : memref<2560x128xi32, #tpu.memory_space<hbm>> -> memref<32x128xi32, #tpu.memory_space<hbm>>
        %dma_wait3A_28 = arith.constant 0 : i32
        %dma_wait3A_29 = tpu.memref_slice %arg5[%add3A, %dma_wait3A_28] : memref<2560x128xi32, #tpu.memory_space<hbm>> -> memref<32x128xi32, #tpu.memory_space<hbm>>
        tpu.wait_dma2 semaphore(%run_scoped3A : memref<!tpu.dma_semaphore, #tpu.memory_space<semaphore_mem>>) src(%dma_wait3A_29 : memref<32x128xi32, #tpu.memory_space<hbm>>) dst(%arg8 : memref<32x128xi32, #tpu.memory_space<vmem>>)
        tpu.yield
      }) : () -> ()
      %scan3A_18 = arith.constant 0 : i32
      %scan3A_19 = arith.constant 0 : i32
      %scan3A_20 = arith.constant 32 : i32
      %scan3A_21 = arith.addi %scan3A_19, %scan3A_20 : i32
      %scan3A_22 = arith.constant 1 : i32
      scf.for %scan3A_24 = %scan3A_19 to %scan3A_21 step %scan3A_22  : i32 {
        %dma_start3A = arith.constant 0 : i32
        %dma_start3A_25 = tpu.memref_slice %arg7[%scan3A_24, %dma_start3A] : memref<32x128xi32, #tpu.memory_space<vmem>> -> memref<1x128xi32, #tpu.memory_space<vmem>>
        %dma_start3A_26 = tpu.memref_squeeze %dma_start3A_25 : memref<1x128xi32, #tpu.memory_space<vmem>> -> memref<128xi32, #tpu.memory_space<vmem>>
        %dma_start3A_27 = arith.constant 0 : i32
        %dma_start3A_28 = arith.constant 0 : i32
        %dma_start3A_29 = tpu.memref_slice %arg2[%dma_start3A_27, %dma_start3A_28] : memref<20480x128xf32, #tpu.memory_space<hbm>> -> memref<20480x128xf32, #tpu.memory_space<hbm>>
        tpu.enqueue_indirect_dma source(%dma_start3A_29 : memref<20480x128xf32, #tpu.memory_space<hbm>>) target(%arg9 : memref<128x128xf32, #tpu.memory_space<vmem>>) offsets(%dma_start3A_26 : memref<128xi32, #tpu.memory_space<vmem>>) semaphore(%arg11 : memref<!tpu.dma_semaphore, #tpu.memory_space<semaphore_mem>>)
        %dma_wait3A = arith.constant 0 : i32
        %dma_wait3A_30 = tpu.memref_slice %arg7[%scan3A_24, %dma_wait3A] : memref<32x128xi32, #tpu.memory_space<vmem>> -> memref<1x128xi32, #tpu.memory_space<vmem>>
        %dma_wait3A_31 = tpu.memref_squeeze %dma_wait3A_30 : memref<1x128xi32, #tpu.memory_space<vmem>> -> memref<128xi32, #tpu.memory_space<vmem>>
        %dma_wait3A_32 = arith.constant 0 : i32
        %dma_wait3A_33 = arith.constant 0 : i32
        %dma_wait3A_34 = tpu.memref_slice %arg2[%dma_wait3A_32, %dma_wait3A_33] : memref<20480x128xf32, #tpu.memory_space<hbm>> -> memref<20480x128xf32, #tpu.memory_space<hbm>>
        tpu.wait_indirect_dma semaphore(%arg11 : memref<!tpu.dma_semaphore, #tpu.memory_space<semaphore_mem>>) src(%dma_wait3A_34 : memref<20480x128xf32, #tpu.memory_space<hbm>>) dst(%arg9 : memref<128x128xf32, #tpu.memory_space<vmem>>)
        "tpu.region"() ({
          %run_scoped3A = tpu.sem_alloc : memref<!tpu.dma_semaphore, #tpu.memory_space<semaphore_mem>>
          %dma_start3A_35 = arith.constant 0 : i32
          %dma_start3A_36 = tpu.memref_slice %arg8[%scan3A_24, %dma_start3A_35] : memref<32x128xi32, #tpu.memory_space<vmem>> -> memref<1x128xi32, #tpu.memory_space<vmem>>
          %dma_start3A_37 = tpu.memref_squeeze %dma_start3A_36 : memref<1x128xi32, #tpu.memory_space<vmem>> -> memref<128xi32, #tpu.memory_space<vmem>>
          %dma_start3A_38 = arith.constant 0 : i32
          %dma_start3A_39 = arith.constant 0 : i32
          %dma_start3A_40 = tpu.memref_slice %arg10[%dma_start3A_38, %dma_start3A_39] : memref<10240x128xf32, #tpu.memory_space<vmem_shared>> -> memref<10240x128xf32, #tpu.memory_space<vmem_shared>>
          tpu.enqueue_indirect_dma source(%arg9 : memref<128x128xf32, #tpu.memory_space<vmem>>) target(%dma_start3A_40 : memref<10240x128xf32, #tpu.memory_space<vmem_shared>>) offsets(%dma_start3A_37 : memref<128xi32, #tpu.memory_space<vmem>>) semaphore(%run_scoped3A : memref<!tpu.dma_semaphore, #tpu.memory_space<semaphore_mem>>) {add = true}
          %dma_wait3A_41 = arith.constant 0 : i32
          %dma_wait3A_42 = tpu.memref_slice %arg8[%scan3A_24, %dma_wait3A_41] : memref<32x128xi32, #tpu.memory_space<vmem>> -> memref<1x128xi32, #tpu.memory_space<vmem>>
          %dma_wait3A_43 = tpu.memref_squeeze %dma_wait3A_42 : memref<1x128xi32, #tpu.memory_space<vmem>> -> memref<128xi32, #tpu.memory_space<vmem>>
          %dma_wait3A_44 = arith.constant 0 : i32
          %dma_wait3A_45 = arith.constant 0 : i32
          %dma_wait3A_46 = tpu.memref_slice %arg10[%dma_wait3A_44, %dma_wait3A_45] : memref<10240x128xf32, #tpu.memory_space<vmem_shared>> -> memref<10240x128xf32, #tpu.memory_space<vmem_shared>>
          tpu.wait_indirect_dma semaphore(%run_scoped3A : memref<!tpu.dma_semaphore, #tpu.memory_space<semaphore_mem>>) src(%arg9 : memref<128x128xf32, #tpu.memory_space<vmem>>) dst(%dma_wait3A_46 : memref<10240x128xf32, #tpu.memory_space<vmem_shared>>)
          tpu.yield
        }) : () -> ()
      }
      %scan3A_23 = arith.constant 32 : i32
    }
    %scan3A_7 = arith.constant 5 : i32
    %barrier3A_8 = arith.constant 0 : index
    tpu.barrier barrier_id(%barrier3A_8)
    %mul3A_9 = arith.constant 640 : i32
    %mul3A_10 = arith.muli %arg1, %mul3A_9 : i32
    %mul3A_11 = arith.constant 640 : i32
    %mul3A_12 = arith.muli %arg1, %mul3A_11 : i32
    "tpu.region"() ({
      %run_scoped3A = tpu.sem_alloc : memref<!tpu.dma_semaphore, #tpu.memory_space<semaphore_mem>>
      %dma_start3A = arith.constant 0 : i32
      %dma_start3A_13 = tpu.memref_slice %arg6[%arg0, %mul3A_12, %dma_start3A] : memref<2x10240x128xf32, #tpu.memory_space<hbm>> -> memref<1x640x128xf32, #tpu.memory_space<hbm>>
      %dma_start3A_14 = tpu.memref_squeeze %dma_start3A_13 : memref<1x640x128xf32, #tpu.memory_space<hbm>> -> memref<640x128xf32, #tpu.memory_space<hbm>>
      %dma_start3A_15 = arith.constant 0 : i32
      %dma_start3A_16 = tpu.memref_slice %arg10[%mul3A_10, %dma_start3A_15] : memref<10240x128xf32, #tpu.memory_space<vmem_shared>> -> memref<640x128xf32, #tpu.memory_space<vmem_shared>>
      tpu.enqueue_dma source(%dma_start3A_16 : memref<640x128xf32, #tpu.memory_space<vmem_shared>>) target(%dma_start3A_14 : memref<640x128xf32, #tpu.memory_space<hbm>>) target_semaphore(%run_scoped3A : memref<!tpu.dma_semaphore, #tpu.memory_space<semaphore_mem>>)
      %dma_wait3A = arith.constant 0 : i32
      %dma_wait3A_17 = tpu.memref_slice %arg6[%arg0, %mul3A_12, %dma_wait3A] : memref<2x10240x128xf32, #tpu.memory_space<hbm>> -> memref<1x640x128xf32, #tpu.memory_space<hbm>>
      %dma_wait3A_18 = tpu.memref_squeeze %dma_wait3A_17 : memref<1x640x128xf32, #tpu.memory_space<hbm>> -> memref<640x128xf32, #tpu.memory_space<hbm>>
      %dma_wait3A_19 = arith.constant 0 : i32
      %dma_wait3A_20 = tpu.memref_slice %arg10[%mul3A_10, %dma_wait3A_19] : memref<10240x128xf32, #tpu.memory_space<vmem_shared>> -> memref<640x128xf32, #tpu.memory_space<vmem_shared>>
      tpu.wait_dma2 semaphore(%run_scoped3A : memref<!tpu.dma_semaphore, #tpu.memory_space<semaphore_mem>>) src(%dma_wait3A_20 : memref<640x128xf32, #tpu.memory_space<vmem_shared>>) dst(%dma_wait3A_18 : memref<640x128xf32, #tpu.memory_space<hbm>>)
      tpu.yield
    }) : () -> ()
    return
  }
}

#map = affine_map<(d0, d1) -> (0, 0)>
module attributes {stable_mosaic.version = 14 : i64} {
  func.func @_deg_kernel(%arg0: i32, %arg1: i32, %arg2: memref<2560x128xi32, #tpu.memory_space<hbm>>, %arg3: memref<2x10240xf32, #tpu.memory_space<hbm>>, %arg4: memref<80x128xi32, #tpu.memory_space<vmem>>, %arg5: memref<128xf32, #tpu.memory_space<vmem>>, %arg6: memref<640xf32, #tpu.memory_space<vmem>>, %arg7: memref<10240xf32, #tpu.memory_space<vmem_shared>>) attributes {dimension_semantics = [#tpu.dimension_semantics<core_parallel>, #tpu.dimension_semantics<subcore_parallel>], iteration_bounds = array<i64: 2, 16>, scalar_prefetch = 0 : i64, scratch_operands = 4 : i64, tpu.core_type = #tpu.core_type<sc_vector_subcore>, window_params = [{transform_indices = #map}, {transform_indices = #map}]} {
    %broadcast_in_dim3A = arith.constant 1.000000e+00 : f32
    %broadcast_in_dim3A_0 = vector.broadcast %broadcast_in_dim3A : f32 to vector<16xf32>
    %swap3A = arith.constant 0 : index
    %swap3A_1 = tpu.vector_load %arg5[%swap3A] {strides = array<i32>} : memref<128xf32, #tpu.memory_space<vmem>>, vector<16xf32>,
    %swap3A_2 = vector.shape_cast %swap3A_1 : vector<16xf32> to vector<16xf32>
    %swap3A_3 = vector.shape_cast %broadcast_in_dim3A_0 : vector<16xf32> to vector<16xf32>
    tpu.vector_store %arg5[%swap3A], %swap3A_3 {strides = array<i32>} : memref<128xf32, #tpu.memory_space<vmem>>, vector<16xf32>,
    %broadcast_in_dim3A_4 = arith.constant 1.000000e+00 : f32
    %broadcast_in_dim3A_5 = vector.broadcast %broadcast_in_dim3A_4 : f32 to vector<16xf32>
    %swap3A_6 = arith.constant 16 : index
    %swap3A_7 = tpu.vector_load %arg5[%swap3A_6] {strides = array<i32>} : memref<128xf32, #tpu.memory_space<vmem>>, vector<16xf32>,
    %swap3A_8 = vector.shape_cast %swap3A_7 : vector<16xf32> to vector<16xf32>
    %swap3A_9 = vector.shape_cast %broadcast_in_dim3A_5 : vector<16xf32> to vector<16xf32>
    tpu.vector_store %arg5[%swap3A_6], %swap3A_9 {strides = array<i32>} : memref<128xf32, #tpu.memory_space<vmem>>, vector<16xf32>,
    %broadcast_in_dim3A_10 = arith.constant 1.000000e+00 : f32
    %broadcast_in_dim3A_11 = vector.broadcast %broadcast_in_dim3A_10 : f32 to vector<16xf32>
    %swap3A_12 = arith.constant 32 : index
    %swap3A_13 = tpu.vector_load %arg5[%swap3A_12] {strides = array<i32>} : memref<128xf32, #tpu.memory_space<vmem>>, vector<16xf32>,
    %swap3A_14 = vector.shape_cast %swap3A_13 : vector<16xf32> to vector<16xf32>
    %swap3A_15 = vector.shape_cast %broadcast_in_dim3A_11 : vector<16xf32> to vector<16xf32>
    tpu.vector_store %arg5[%swap3A_12], %swap3A_15 {strides = array<i32>} : memref<128xf32, #tpu.memory_space<vmem>>, vector<16xf32>,
    %broadcast_in_dim3A_16 = arith.constant 1.000000e+00 : f32
    %broadcast_in_dim3A_17 = vector.broadcast %broadcast_in_dim3A_16 : f32 to vector<16xf32>
    %swap3A_18 = arith.constant 48 : index
    %swap3A_19 = tpu.vector_load %arg5[%swap3A_18] {strides = array<i32>} : memref<128xf32, #tpu.memory_space<vmem>>, vector<16xf32>,
    %swap3A_20 = vector.shape_cast %swap3A_19 : vector<16xf32> to vector<16xf32>
    %swap3A_21 = vector.shape_cast %broadcast_in_dim3A_17 : vector<16xf32> to vector<16xf32>
    tpu.vector_store %arg5[%swap3A_18], %swap3A_21 {strides = array<i32>} : memref<128xf32, #tpu.memory_space<vmem>>, vector<16xf32>,
    %broadcast_in_dim3A_22 = arith.constant 1.000000e+00 : f32
    %broadcast_in_dim3A_23 = vector.broadcast %broadcast_in_dim3A_22 : f32 to vector<16xf32>
    %swap3A_24 = arith.constant 64 : index
    %swap3A_25 = tpu.vector_load %arg5[%swap3A_24] {strides = array<i32>} : memref<128xf32, #tpu.memory_space<vmem>>, vector<16xf32>,
    %swap3A_26 = vector.shape_cast %swap3A_25 : vector<16xf32> to vector<16xf32>
    %swap3A_27 = vector.shape_cast %broadcast_in_dim3A_23 : vector<16xf32> to vector<16xf32>
    tpu.vector_store %arg5[%swap3A_24], %swap3A_27 {strides = array<i32>} : memref<128xf32, #tpu.memory_space<vmem>>, vector<16xf32>,
    %broadcast_in_dim3A_28 = arith.constant 1.000000e+00 : f32
    %broadcast_in_dim3A_29 = vector.broadcast %broadcast_in_dim3A_28 : f32 to vector<16xf32>
    %swap3A_30 = arith.constant 80 : index
    %swap3A_31 = tpu.vector_load %arg5[%swap3A_30] {strides = array<i32>} : memref<128xf32, #tpu.memory_space<vmem>>, vector<16xf32>,
    %swap3A_32 = vector.shape_cast %swap3A_31 : vector<16xf32> to vector<16xf32>
    %swap3A_33 = vector.shape_cast %broadcast_in_dim3A_29 : vector<16xf32> to vector<16xf32>
    tpu.vector_store %arg5[%swap3A_30], %swap3A_33 {strides = array<i32>} : memref<128xf32, #tpu.memory_space<vmem>>, vector<16xf32>,
    %broadcast_in_dim3A_34 = arith.constant 1.000000e+00 : f32
    %broadcast_in_dim3A_35 = vector.broadcast %broadcast_in_dim3A_34 : f32 to vector<16xf32>
    %swap3A_36 = arith.constant 96 : index
    %swap3A_37 = tpu.vector_load %arg5[%swap3A_36] {strides = array<i32>} : memref<128xf32, #tpu.memory_space<vmem>>, vector<16xf32>,
    %swap3A_38 = vector.shape_cast %swap3A_37 : vector<16xf32> to vector<16xf32>
    %swap3A_39 = vector.shape_cast %broadcast_in_dim3A_35 : vector<16xf32> to vector<16xf32>
    tpu.vector_store %arg5[%swap3A_36], %swap3A_39 {strides = array<i32>} : memref<128xf32, #tpu.memory_space<vmem>>, vector<16xf32>,
    %broadcast_in_dim3A_40 = arith.constant 1.000000e+00 : f32
    %broadcast_in_dim3A_41 = vector.broadcast %broadcast_in_dim3A_40 : f32 to vector<16xf32>
    %swap3A_42 = arith.constant 112 : index
    %swap3A_43 = tpu.vector_load %arg5[%swap3A_42] {strides = array<i32>} : memref<128xf32, #tpu.memory_space<vmem>>, vector<16xf32>,
    %swap3A_44 = vector.shape_cast %swap3A_43 : vector<16xf32> to vector<16xf32>
    %swap3A_45 = vector.shape_cast %broadcast_in_dim3A_41 : vector<16xf32> to vector<16xf32>
    tpu.vector_store %arg5[%swap3A_42], %swap3A_45 {strides = array<i32>} : memref<128xf32, #tpu.memory_space<vmem>>, vector<16xf32>,
    %broadcast_in_dim3A_46 = arith.constant 0.000000e+00 : f32
    %broadcast_in_dim3A_47 = vector.broadcast %broadcast_in_dim3A_46 : f32 to vector<16xf32>
    %swap3A_48 = arith.constant 0 : index
    %swap3A_49 = tpu.vector_load %arg6[%swap3A_48] {strides = array<i32>} : memref<640xf32, #tpu.memory_space<vmem>>, vector<16xf32>,
    %swap3A_50 = vector.shape_cast %swap3A_49 : vector<16xf32> to vector<16xf32>
    %swap3A_51 = vector.shape_cast %broadcast_in_dim3A_47 : vector<16xf32> to vector<16xf32>
    tpu.vector_store %arg6[%swap3A_48], %swap3A_51 {strides = array<i32>} : memref<640xf32, #tpu.memory_space<vmem>>, vector<16xf32>,
    %broadcast_in_dim3A_52 = arith.constant 0.000000e+00 : f32
    %broadcast_in_dim3A_53 = vector.broadcast %broadcast_in_dim3A_52 : f32 to vector<16xf32>
    %swap3A_54 = arith.constant 16 : index
    %swap3A_55 = tpu.vector_load %arg6[%swap3A_54] {strides = array<i32>} : memref<640xf32, #tpu.memory_space<vmem>>, vector<16xf32>,
    %swap3A_56 = vector.shape_cast %swap3A_55 : vector<16xf32> to vector<16xf32>
    %swap3A_57 = vector.shape_cast %broadcast_in_dim3A_53 : vector<16xf32> to vector<16xf32>
    tpu.vector_store %arg6[%swap3A_54], %swap3A_57 {strides = array<i32>} : memref<640xf32, #tpu.memory_space<vmem>>, vector<16xf32>,
    %broadcast_in_dim3A_58 = arith.constant 0.000000e+00 : f32
    %broadcast_in_dim3A_59 = vector.broadcast %broadcast_in_dim3A_58 : f32 to vector<16xf32>
    %swap3A_60 = arith.constant 32 : index
    %swap3A_61 = tpu.vector_load %arg6[%swap3A_60] {strides = array<i32>} : memref<640xf32, #tpu.memory_space<vmem>>, vector<16xf32>,
    %swap3A_62 = vector.shape_cast %swap3A_61 : vector<16xf32> to vector<16xf32>
    %swap3A_63 = vector.shape_cast %broadcast_in_dim3A_59 : vector<16xf32> to vector<16xf32>
    tpu.vector_store %arg6[%swap3A_60], %swap3A_63 {strides = array<i32>} : memref<640xf32, #tpu.memory_space<vmem>>, vector<16xf32>,
    %broadcast_in_dim3A_64 = arith.constant 0.000000e+00 : f32
    %broadcast_in_dim3A_65 = vector.broadcast %broadcast_in_dim3A_64 : f32 to vector<16xf32>
    %swap3A_66 = arith.constant 48 : index
    %swap3A_67 = tpu.vector_load %arg6[%swap3A_66] {strides = array<i32>} : memref<640xf32, #tpu.memory_space<vmem>>, vector<16xf32>,
    %swap3A_68 = vector.shape_cast %swap3A_67 : vector<16xf32> to vector<16xf32>
    %swap3A_69 = vector.shape_cast %broadcast_in_dim3A_65 : vector<16xf32> to vector<16xf32>
    tpu.vector_store %arg6[%swap3A_66], %swap3A_69 {strides = array<i32>} : memref<640xf32, #tpu.memory_space<vmem>>, vector<16xf32>,
    %broadcast_in_dim3A_70 = arith.constant 0.000000e+00 : f32
    %broadcast_in_dim3A_71 = vector.broadcast %broadcast_in_dim3A_70 : f32 to vector<16xf32>
    %swap3A_72 = arith.constant 64 : index
    %swap3A_73 = tpu.vector_load %arg6[%swap3A_72] {strides = array<i32>} : memref<640xf32, #tpu.memory_space<vmem>>, vector<16xf32>,
    %swap3A_74 = vector.shape_cast %swap3A_73 : vector<16xf32> to vector<16xf32>
    %swap3A_75 = vector.shape_cast %broadcast_in_dim3A_71 : vector<16xf32> to vector<16xf32>
    tpu.vector_store %arg6[%swap3A_72], %swap3A_75 {strides = array<i32>} : memref<640xf32, #tpu.memory_space<vmem>>, vector<16xf32>,
    %broadcast_in_dim3A_76 = arith.constant 0.000000e+00 : f32
    %broadcast_in_dim3A_77 = vector.broadcast %broadcast_in_dim3A_76 : f32 to vector<16xf32>
    %swap3A_78 = arith.constant 80 : index
    %swap3A_79 = tpu.vector_load %arg6[%swap3A_78] {strides = array<i32>} : memref<640xf32, #tpu.memory_space<vmem>>, vector<16xf32>,
    %swap3A_80 = vector.shape_cast %swap3A_79 : vector<16xf32> to vector<16xf32>
    %swap3A_81 = vector.shape_cast %broadcast_in_dim3A_77 : vector<16xf32> to vector<16xf32>
    tpu.vector_store %arg6[%swap3A_78], %swap3A_81 {strides = array<i32>} : memref<640xf32, #tpu.memory_space<vmem>>, vector<16xf32>,
    %broadcast_in_dim3A_82 = arith.constant 0.000000e+00 : f32
    %broadcast_in_dim3A_83 = vector.broadcast %broadcast_in_dim3A_82 : f32 to vector<16xf32>
    %swap3A_84 = arith.constant 96 : index
    %swap3A_85 = tpu.vector_load %arg6[%swap3A_84] {strides = array<i32>} : memref<640xf32, #tpu.memory_space<vmem>>, vector<16xf32>,
    %swap3A_86 = vector.shape_cast %swap3A_85 : vector<16xf32> to vector<16xf32>
    %swap3A_87 = vector.shape_cast %broadcast_in_dim3A_83 : vector<16xf32> to vector<16xf32>
    tpu.vector_store %arg6[%swap3A_84], %swap3A_87 {strides = array<i32>} : memref<640xf32, #tpu.memory_space<vmem>>, vector<16xf32>,
    %broadcast_in_dim3A_88 = arith.constant 0.000000e+00 : f32
    %broadcast_in_dim3A_89 = vector.broadcast %broadcast_in_dim3A_88 : f32 to vector<16xf32>
    %swap3A_90 = arith.constant 112 : index
    %swap3A_91 = tpu.vector_load %arg6[%swap3A_90] {strides = array<i32>} : memref<640xf32, #tpu.memory_space<vmem>>, vector<16xf32>,
    %swap3A_92 = vector.shape_cast %swap3A_91 : vector<16xf32> to vector<16xf32>
    %swap3A_93 = vector.shape_cast %broadcast_in_dim3A_89 : vector<16xf32> to vector<16xf32>
    tpu.vector_store %arg6[%swap3A_90], %swap3A_93 {strides = array<i32>} : memref<640xf32, #tpu.memory_space<vmem>>, vector<16xf32>,
    %broadcast_in_dim3A_94 = arith.constant 0.000000e+00 : f32
    %broadcast_in_dim3A_95 = vector.broadcast %broadcast_in_dim3A_94 : f32 to vector<16xf32>
    %swap3A_96 = arith.constant 128 : index
    %swap3A_97 = tpu.vector_load %arg6[%swap3A_96] {strides = array<i32>} : memref<640xf32, #tpu.memory_space<vmem>>, vector<16xf32>,
    %swap3A_98 = vector.shape_cast %swap3A_97 : vector<16xf32> to vector<16xf32>
    %swap3A_99 = vector.shape_cast %broadcast_in_dim3A_95 : vector<16xf32> to vector<16xf32>
    tpu.vector_store %arg6[%swap3A_96], %swap3A_99 {strides = array<i32>} : memref<640xf32, #tpu.memory_space<vmem>>, vector<16xf32>,
    %broadcast_in_dim3A_100 = arith.constant 0.000000e+00 : f32
    %broadcast_in_dim3A_101 = vector.broadcast %broadcast_in_dim3A_100 : f32 to vector<16xf32>
    %swap3A_102 = arith.constant 144 : index
    %swap3A_103 = tpu.vector_load %arg6[%swap3A_102] {strides = array<i32>} : memref<640xf32, #tpu.memory_space<vmem>>, vector<16xf32>,
    %swap3A_104 = vector.shape_cast %swap3A_103 : vector<16xf32> to vector<16xf32>
    %swap3A_105 = vector.shape_cast %broadcast_in_dim3A_101 : vector<16xf32> to vector<16xf32>
    tpu.vector_store %arg6[%swap3A_102], %swap3A_105 {strides = array<i32>} : memref<640xf32, #tpu.memory_space<vmem>>, vector<16xf32>,
    %broadcast_in_dim3A_106 = arith.constant 0.000000e+00 : f32
    %broadcast_in_dim3A_107 = vector.broadcast %broadcast_in_dim3A_106 : f32 to vector<16xf32>
    %swap3A_108 = arith.constant 160 : index
    %swap3A_109 = tpu.vector_load %arg6[%swap3A_108] {strides = array<i32>} : memref<640xf32, #tpu.memory_space<vmem>>, vector<16xf32>,
    %swap3A_110 = vector.shape_cast %swap3A_109 : vector<16xf32> to vector<16xf32>
    %swap3A_111 = vector.shape_cast %broadcast_in_dim3A_107 : vector<16xf32> to vector<16xf32>
    tpu.vector_store %arg6[%swap3A_108], %swap3A_111 {strides = array<i32>} : memref<640xf32, #tpu.memory_space<vmem>>, vector<16xf32>,
    %broadcast_in_dim3A_112 = arith.constant 0.000000e+00 : f32
    %broadcast_in_dim3A_113 = vector.broadcast %broadcast_in_dim3A_112 : f32 to vector<16xf32>
    %swap3A_114 = arith.constant 176 : index
    %swap3A_115 = tpu.vector_load %arg6[%swap3A_114] {strides = array<i32>} : memref<640xf32, #tpu.memory_space<vmem>>, vector<16xf32>,
    %swap3A_116 = vector.shape_cast %swap3A_115 : vector<16xf32> to vector<16xf32>
    %swap3A_117 = vector.shape_cast %broadcast_in_dim3A_113 : vector<16xf32> to vector<16xf32>
    tpu.vector_store %arg6[%swap3A_114], %swap3A_117 {strides = array<i32>} : memref<640xf32, #tpu.memory_space<vmem>>, vector<16xf32>,
    %broadcast_in_dim3A_118 = arith.constant 0.000000e+00 : f32
    %broadcast_in_dim3A_119 = vector.broadcast %broadcast_in_dim3A_118 : f32 to vector<16xf32>
    %swap3A_120 = arith.constant 192 : index
    %swap3A_121 = tpu.vector_load %arg6[%swap3A_120] {strides = array<i32>} : memref<640xf32, #tpu.memory_space<vmem>>, vector<16xf32>,
    %swap3A_122 = vector.shape_cast %swap3A_121 : vector<16xf32> to vector<16xf32>
    %swap3A_123 = vector.shape_cast %broadcast_in_dim3A_119 : vector<16xf32> to vector<16xf32>
    tpu.vector_store %arg6[%swap3A_120], %swap3A_123 {strides = array<i32>} : memref<640xf32, #tpu.memory_space<vmem>>, vector<16xf32>,
    %broadcast_in_dim3A_124 = arith.constant 0.000000e+00 : f32
    %broadcast_in_dim3A_125 = vector.broadcast %broadcast_in_dim3A_124 : f32 to vector<16xf32>
    %swap3A_126 = arith.constant 208 : index
    %swap3A_127 = tpu.vector_load %arg6[%swap3A_126] {strides = array<i32>} : memref<640xf32, #tpu.memory_space<vmem>>, vector<16xf32>,
    %swap3A_128 = vector.shape_cast %swap3A_127 : vector<16xf32> to vector<16xf32>
    %swap3A_129 = vector.shape_cast %broadcast_in_dim3A_125 : vector<16xf32> to vector<16xf32>
    tpu.vector_store %arg6[%swap3A_126], %swap3A_129 {strides = array<i32>} : memref<640xf32, #tpu.memory_space<vmem>>, vector<16xf32>,
    %broadcast_in_dim3A_130 = arith.constant 0.000000e+00 : f32
    %broadcast_in_dim3A_131 = vector.broadcast %broadcast_in_dim3A_130 : f32 to vector<16xf32>
    %swap3A_132 = arith.constant 224 : index
    %swap3A_133 = tpu.vector_load %arg6[%swap3A_132] {strides = array<i32>} : memref<640xf32, #tpu.memory_space<vmem>>, vector<16xf32>,
    %swap3A_134 = vector.shape_cast %swap3A_133 : vector<16xf32> to vector<16xf32>
    %swap3A_135 = vector.shape_cast %broadcast_in_dim3A_131 : vector<16xf32> to vector<16xf32>
    tpu.vector_store %arg6[%swap3A_132], %swap3A_135 {strides = array<i32>} : memref<640xf32, #tpu.memory_space<vmem>>, vector<16xf32>,
    %broadcast_in_dim3A_136 = arith.constant 0.000000e+00 : f32
    %broadcast_in_dim3A_137 = vector.broadcast %broadcast_in_dim3A_136 : f32 to vector<16xf32>
    %swap3A_138 = arith.constant 240 : index
    %swap3A_139 = tpu.vector_load %arg6[%swap3A_138] {strides = array<i32>} : memref<640xf32, #tpu.memory_space<vmem>>, vector<16xf32>,
    %swap3A_140 = vector.shape_cast %swap3A_139 : vector<16xf32> to vector<16xf32>
    %swap3A_141 = vector.shape_cast %broadcast_in_dim3A_137 : vector<16xf32> to vector<16xf32>
    tpu.vector_store %arg6[%swap3A_138], %swap3A_141 {strides = array<i32>} : memref<640xf32, #tpu.memory_space<vmem>>, vector<16xf32>,
    %broadcast_in_dim3A_142 = arith.constant 0.000000e+00 : f32
    %broadcast_in_dim3A_143 = vector.broadcast %broadcast_in_dim3A_142 : f32 to vector<16xf32>
    %swap3A_144 = arith.constant 256 : index
    %swap3A_145 = tpu.vector_load %arg6[%swap3A_144] {strides = array<i32>} : memref<640xf32, #tpu.memory_space<vmem>>, vector<16xf32>,
    %swap3A_146 = vector.shape_cast %swap3A_145 : vector<16xf32> to vector<16xf32>
    %swap3A_147 = vector.shape_cast %broadcast_in_dim3A_143 : vector<16xf32> to vector<16xf32>
    tpu.vector_store %arg6[%swap3A_144], %swap3A_147 {strides = array<i32>} : memref<640xf32, #tpu.memory_space<vmem>>, vector<16xf32>,
    %broadcast_in_dim3A_148 = arith.constant 0.000000e+00 : f32
    %broadcast_in_dim3A_149 = vector.broadcast %broadcast_in_dim3A_148 : f32 to vector<16xf32>
    %swap3A_150 = arith.constant 272 : index
    %swap3A_151 = tpu.vector_load %arg6[%swap3A_150] {strides = array<i32>} : memref<640xf32, #tpu.memory_space<vmem>>, vector<16xf32>,
    %swap3A_152 = vector.shape_cast %swap3A_151 : vector<16xf32> to vector<16xf32>
    %swap3A_153 = vector.shape_cast %broadcast_in_dim3A_149 : vector<16xf32> to vector<16xf32>
    tpu.vector_store %arg6[%swap3A_150], %swap3A_153 {strides = array<i32>} : memref<640xf32, #tpu.memory_space<vmem>>, vector<16xf32>,
    %broadcast_in_dim3A_154 = arith.constant 0.000000e+00 : f32
    %broadcast_in_dim3A_155 = vector.broadcast %broadcast_in_dim3A_154 : f32 to vector<16xf32>
    %swap3A_156 = arith.constant 288 : index
    %swap3A_157 = tpu.vector_load %arg6[%swap3A_156] {strides = array<i32>} : memref<640xf32, #tpu.memory_space<vmem>>, vector<16xf32>,
    %swap3A_158 = vector.shape_cast %swap3A_157 : vector<16xf32> to vector<16xf32>
    %swap3A_159 = vector.shape_cast %broadcast_in_dim3A_155 : vector<16xf32> to vector<16xf32>
    tpu.vector_store %arg6[%swap3A_156], %swap3A_159 {strides = array<i32>} : memref<640xf32, #tpu.memory_space<vmem>>, vector<16xf32>,
    %broadcast_in_dim3A_160 = arith.constant 0.000000e+00 : f32
    %broadcast_in_dim3A_161 = vector.broadcast %broadcast_in_dim3A_160 : f32 to vector<16xf32>
    %swap3A_162 = arith.constant 304 : index
    %swap3A_163 = tpu.vector_load %arg6[%swap3A_162] {strides = array<i32>} : memref<640xf32, #tpu.memory_space<vmem>>, vector<16xf32>,
    %swap3A_164 = vector.shape_cast %swap3A_163 : vector<16xf32> to vector<16xf32>
    %swap3A_165 = vector.shape_cast %broadcast_in_dim3A_161 : vector<16xf32> to vector<16xf32>
    tpu.vector_store %arg6[%swap3A_162], %swap3A_165 {strides = array<i32>} : memref<640xf32, #tpu.memory_space<vmem>>, vector<16xf32>,
    %broadcast_in_dim3A_166 = arith.constant 0.000000e+00 : f32
    %broadcast_in_dim3A_167 = vector.broadcast %broadcast_in_dim3A_166 : f32 to vector<16xf32>
    %swap3A_168 = arith.constant 320 : index
    %swap3A_169 = tpu.vector_load %arg6[%swap3A_168] {strides = array<i32>} : memref<640xf32, #tpu.memory_space<vmem>>, vector<16xf32>,
    %swap3A_170 = vector.shape_cast %swap3A_169 : vector<16xf32> to vector<16xf32>
    %swap3A_171 = vector.shape_cast %broadcast_in_dim3A_167 : vector<16xf32> to vector<16xf32>
    tpu.vector_store %arg6[%swap3A_168], %swap3A_171 {strides = array<i32>} : memref<640xf32, #tpu.memory_space<vmem>>, vector<16xf32>,
    %broadcast_in_dim3A_172 = arith.constant 0.000000e+00 : f32
    %broadcast_in_dim3A_173 = vector.broadcast %broadcast_in_dim3A_172 : f32 to vector<16xf32>
    %swap3A_174 = arith.constant 336 : index
    %swap3A_175 = tpu.vector_load %arg6[%swap3A_174] {strides = array<i32>} : memref<640xf32, #tpu.memory_space<vmem>>, vector<16xf32>,
    %swap3A_176 = vector.shape_cast %swap3A_175 : vector<16xf32> to vector<16xf32>
    %swap3A_177 = vector.shape_cast %broadcast_in_dim3A_173 : vector<16xf32> to vector<16xf32>
    tpu.vector_store %arg6[%swap3A_174], %swap3A_177 {strides = array<i32>} : memref<640xf32, #tpu.memory_space<vmem>>, vector<16xf32>,
    %broadcast_in_dim3A_178 = arith.constant 0.000000e+00 : f32
    %broadcast_in_dim3A_179 = vector.broadcast %broadcast_in_dim3A_178 : f32 to vector<16xf32>
    %swap3A_180 = arith.constant 352 : index
    %swap3A_181 = tpu.vector_load %arg6[%swap3A_180] {strides = array<i32>} : memref<640xf32, #tpu.memory_space<vmem>>, vector<16xf32>,
    %swap3A_182 = vector.shape_cast %swap3A_181 : vector<16xf32> to vector<16xf32>
    %swap3A_183 = vector.shape_cast %broadcast_in_dim3A_179 : vector<16xf32> to vector<16xf32>
    tpu.vector_store %arg6[%swap3A_180], %swap3A_183 {strides = array<i32>} : memref<640xf32, #tpu.memory_space<vmem>>, vector<16xf32>,
    %broadcast_in_dim3A_184 = arith.constant 0.000000e+00 : f32
    %broadcast_in_dim3A_185 = vector.broadcast %broadcast_in_dim3A_184 : f32 to vector<16xf32>
    %swap3A_186 = arith.constant 368 : index
    %swap3A_187 = tpu.vector_load %arg6[%swap3A_186] {strides = array<i32>} : memref<640xf32, #tpu.memory_space<vmem>>, vector<16xf32>,
    %swap3A_188 = vector.shape_cast %swap3A_187 : vector<16xf32> to vector<16xf32>
    %swap3A_189 = vector.shape_cast %broadcast_in_dim3A_185 : vector<16xf32> to vector<16xf32>
    tpu.vector_store %arg6[%swap3A_186], %swap3A_189 {strides = array<i32>} : memref<640xf32, #tpu.memory_space<vmem>>, vector<16xf32>,
    %broadcast_in_dim3A_190 = arith.constant 0.000000e+00 : f32
    %broadcast_in_dim3A_191 = vector.broadcast %broadcast_in_dim3A_190 : f32 to vector<16xf32>
    %swap3A_192 = arith.constant 384 : index
    %swap3A_193 = tpu.vector_load %arg6[%swap3A_192] {strides = array<i32>} : memref<640xf32, #tpu.memory_space<vmem>>, vector<16xf32>,
    %swap3A_194 = vector.shape_cast %swap3A_193 : vector<16xf32> to vector<16xf32>
    %swap3A_195 = vector.shape_cast %broadcast_in_dim3A_191 : vector<16xf32> to vector<16xf32>
    tpu.vector_store %arg6[%swap3A_192], %swap3A_195 {strides = array<i32>} : memref<640xf32, #tpu.memory_space<vmem>>, vector<16xf32>,
    %broadcast_in_dim3A_196 = arith.constant 0.000000e+00 : f32
    %broadcast_in_dim3A_197 = vector.broadcast %broadcast_in_dim3A_196 : f32 to vector<16xf32>
    %swap3A_198 = arith.constant 400 : index
    %swap3A_199 = tpu.vector_load %arg6[%swap3A_198] {strides = array<i32>} : memref<640xf32, #tpu.memory_space<vmem>>, vector<16xf32>,
    %swap3A_200 = vector.shape_cast %swap3A_199 : vector<16xf32> to vector<16xf32>
    %swap3A_201 = vector.shape_cast %broadcast_in_dim3A_197 : vector<16xf32> to vector<16xf32>
    tpu.vector_store %arg6[%swap3A_198], %swap3A_201 {strides = array<i32>} : memref<640xf32, #tpu.memory_space<vmem>>, vector<16xf32>,
    %broadcast_in_dim3A_202 = arith.constant 0.000000e+00 : f32
    %broadcast_in_dim3A_203 = vector.broadcast %broadcast_in_dim3A_202 : f32 to vector<16xf32>
    %swap3A_204 = arith.constant 416 : index
    %swap3A_205 = tpu.vector_load %arg6[%swap3A_204] {strides = array<i32>} : memref<640xf32, #tpu.memory_space<vmem>>, vector<16xf32>,
    %swap3A_206 = vector.shape_cast %swap3A_205 : vector<16xf32> to vector<16xf32>
    %swap3A_207 = vector.shape_cast %broadcast_in_dim3A_203 : vector<16xf32> to vector<16xf32>
    tpu.vector_store %arg6[%swap3A_204], %swap3A_207 {strides = array<i32>} : memref<640xf32, #tpu.memory_space<vmem>>, vector<16xf32>,
    %broadcast_in_dim3A_208 = arith.constant 0.000000e+00 : f32
    %broadcast_in_dim3A_209 = vector.broadcast %broadcast_in_dim3A_208 : f32 to vector<16xf32>
    %swap3A_210 = arith.constant 432 : index
    %swap3A_211 = tpu.vector_load %arg6[%swap3A_210] {strides = array<i32>} : memref<640xf32, #tpu.memory_space<vmem>>, vector<16xf32>,
    %swap3A_212 = vector.shape_cast %swap3A_211 : vector<16xf32> to vector<16xf32>
    %swap3A_213 = vector.shape_cast %broadcast_in_dim3A_209 : vector<16xf32> to vector<16xf32>
    tpu.vector_store %arg6[%swap3A_210], %swap3A_213 {strides = array<i32>} : memref<640xf32, #tpu.memory_space<vmem>>, vector<16xf32>,
    %broadcast_in_dim3A_214 = arith.constant 0.000000e+00 : f32
    %broadcast_in_dim3A_215 = vector.broadcast %broadcast_in_dim3A_214 : f32 to vector<16xf32>
    %swap3A_216 = arith.constant 448 : index
    %swap3A_217 = tpu.vector_load %arg6[%swap3A_216] {strides = array<i32>} : memref<640xf32, #tpu.memory_space<vmem>>, vector<16xf32>,
    %swap3A_218 = vector.shape_cast %swap3A_217 : vector<16xf32> to vector<16xf32>
    %swap3A_219 = vector.shape_cast %broadcast_in_dim3A_215 : vector<16xf32> to vector<16xf32>
    tpu.vector_store %arg6[%swap3A_216], %swap3A_219 {strides = array<i32>} : memref<640xf32, #tpu.memory_space<vmem>>, vector<16xf32>,
    %broadcast_in_dim3A_220 = arith.constant 0.000000e+00 : f32
    %broadcast_in_dim3A_221 = vector.broadcast %broadcast_in_dim3A_220 : f32 to vector<16xf32>
    %swap3A_222 = arith.constant 464 : index
    %swap3A_223 = tpu.vector_load %arg6[%swap3A_222] {strides = array<i32>} : memref<640xf32, #tpu.memory_space<vmem>>, vector<16xf32>,
    %swap3A_224 = vector.shape_cast %swap3A_223 : vector<16xf32> to vector<16xf32>
    %swap3A_225 = vector.shape_cast %broadcast_in_dim3A_221 : vector<16xf32> to vector<16xf32>
    tpu.vector_store %arg6[%swap3A_222], %swap3A_225 {strides = array<i32>} : memref<640xf32, #tpu.memory_space<vmem>>, vector<16xf32>,
    %broadcast_in_dim3A_226 = arith.constant 0.000000e+00 : f32
    %broadcast_in_dim3A_227 = vector.broadcast %broadcast_in_dim3A_226 : f32 to vector<16xf32>
    %swap3A_228 = arith.constant 480 : index
    %swap3A_229 = tpu.vector_load %arg6[%swap3A_228] {strides = array<i32>} : memref<640xf32, #tpu.memory_space<vmem>>, vector<16xf32>,
    %swap3A_230 = vector.shape_cast %swap3A_229 : vector<16xf32> to vector<16xf32>
    %swap3A_231 = vector.shape_cast %broadcast_in_dim3A_227 : vector<16xf32> to vector<16xf32>
    tpu.vector_store %arg6[%swap3A_228], %swap3A_231 {strides = array<i32>} : memref<640xf32, #tpu.memory_space<vmem>>, vector<16xf32>,
    %broadcast_in_dim3A_232 = arith.constant 0.000000e+00 : f32
    %broadcast_in_dim3A_233 = vector.broadcast %broadcast_in_dim3A_232 : f32 to vector<16xf32>
    %swap3A_234 = arith.constant 496 : index
    %swap3A_235 = tpu.vector_load %arg6[%swap3A_234] {strides = array<i32>} : memref<640xf32, #tpu.memory_space<vmem>>, vector<16xf32>,
    %swap3A_236 = vector.shape_cast %swap3A_235 : vector<16xf32> to vector<16xf32>
    %swap3A_237 = vector.shape_cast %broadcast_in_dim3A_233 : vector<16xf32> to vector<16xf32>
    tpu.vector_store %arg6[%swap3A_234], %swap3A_237 {strides = array<i32>} : memref<640xf32, #tpu.memory_space<vmem>>, vector<16xf32>,
    %broadcast_in_dim3A_238 = arith.constant 0.000000e+00 : f32
    %broadcast_in_dim3A_239 = vector.broadcast %broadcast_in_dim3A_238 : f32 to vector<16xf32>
    %swap3A_240 = arith.constant 512 : index
    %swap3A_241 = tpu.vector_load %arg6[%swap3A_240] {strides = array<i32>} : memref<640xf32, #tpu.memory_space<vmem>>, vector<16xf32>,
    %swap3A_242 = vector.shape_cast %swap3A_241 : vector<16xf32> to vector<16xf32>
    %swap3A_243 = vector.shape_cast %broadcast_in_dim3A_239 : vector<16xf32> to vector<16xf32>
    tpu.vector_store %arg6[%swap3A_240], %swap3A_243 {strides = array<i32>} : memref<640xf32, #tpu.memory_space<vmem>>, vector<16xf32>,
    %broadcast_in_dim3A_244 = arith.constant 0.000000e+00 : f32
    %broadcast_in_dim3A_245 = vector.broadcast %broadcast_in_dim3A_244 : f32 to vector<16xf32>
    %swap3A_246 = arith.constant 528 : index
    %swap3A_247 = tpu.vector_load %arg6[%swap3A_246] {strides = array<i32>} : memref<640xf32, #tpu.memory_space<vmem>>, vector<16xf32>,
    %swap3A_248 = vector.shape_cast %swap3A_247 : vector<16xf32> to vector<16xf32>
    %swap3A_249 = vector.shape_cast %broadcast_in_dim3A_245 : vector<16xf32> to vector<16xf32>
    tpu.vector_store %arg6[%swap3A_246], %swap3A_249 {strides = array<i32>} : memref<640xf32, #tpu.memory_space<vmem>>, vector<16xf32>,
    %broadcast_in_dim3A_250 = arith.constant 0.000000e+00 : f32
    %broadcast_in_dim3A_251 = vector.broadcast %broadcast_in_dim3A_250 : f32 to vector<16xf32>
    %swap3A_252 = arith.constant 544 : index
    %swap3A_253 = tpu.vector_load %arg6[%swap3A_252] {strides = array<i32>} : memref<640xf32, #tpu.memory_space<vmem>>, vector<16xf32>,
    %swap3A_254 = vector.shape_cast %swap3A_253 : vector<16xf32> to vector<16xf32>
    %swap3A_255 = vector.shape_cast %broadcast_in_dim3A_251 : vector<16xf32> to vector<16xf32>
    tpu.vector_store %arg6[%swap3A_252], %swap3A_255 {strides = array<i32>} : memref<640xf32, #tpu.memory_space<vmem>>, vector<16xf32>,
    %broadcast_in_dim3A_256 = arith.constant 0.000000e+00 : f32
    %broadcast_in_dim3A_257 = vector.broadcast %broadcast_in_dim3A_256 : f32 to vector<16xf32>
    %swap3A_258 = arith.constant 560 : index
    %swap3A_259 = tpu.vector_load %arg6[%swap3A_258] {strides = array<i32>} : memref<640xf32, #tpu.memory_space<vmem>>, vector<16xf32>,
    %swap3A_260 = vector.shape_cast %swap3A_259 : vector<16xf32> to vector<16xf32>
    %swap3A_261 = vector.shape_cast %broadcast_in_dim3A_257 : vector<16xf32> to vector<16xf32>
    tpu.vector_store %arg6[%swap3A_258], %swap3A_261 {strides = array<i32>} : memref<640xf32, #tpu.memory_space<vmem>>, vector<16xf32>,
    %broadcast_in_dim3A_262 = arith.constant 0.000000e+00 : f32
    %broadcast_in_dim3A_263 = vector.broadcast %broadcast_in_dim3A_262 : f32 to vector<16xf32>
    %swap3A_264 = arith.constant 576 : index
    %swap3A_265 = tpu.vector_load %arg6[%swap3A_264] {strides = array<i32>} : memref<640xf32, #tpu.memory_space<vmem>>, vector<16xf32>,
    %swap3A_266 = vector.shape_cast %swap3A_265 : vector<16xf32> to vector<16xf32>
    %swap3A_267 = vector.shape_cast %broadcast_in_dim3A_263 : vector<16xf32> to vector<16xf32>
    tpu.vector_store %arg6[%swap3A_264], %swap3A_267 {strides = array<i32>} : memref<640xf32, #tpu.memory_space<vmem>>, vector<16xf32>,
    %broadcast_in_dim3A_268 = arith.constant 0.000000e+00 : f32
    %broadcast_in_dim3A_269 = vector.broadcast %broadcast_in_dim3A_268 : f32 to vector<16xf32>
    %swap3A_270 = arith.constant 592 : index
    %swap3A_271 = tpu.vector_load %arg6[%swap3A_270] {strides = array<i32>} : memref<640xf32, #tpu.memory_space<vmem>>, vector<16xf32>,
    %swap3A_272 = vector.shape_cast %swap3A_271 : vector<16xf32> to vector<16xf32>
    %swap3A_273 = vector.shape_cast %broadcast_in_dim3A_269 : vector<16xf32> to vector<16xf32>
    tpu.vector_store %arg6[%swap3A_270], %swap3A_273 {strides = array<i32>} : memref<640xf32, #tpu.memory_space<vmem>>, vector<16xf32>,
    %broadcast_in_dim3A_274 = arith.constant 0.000000e+00 : f32
    %broadcast_in_dim3A_275 = vector.broadcast %broadcast_in_dim3A_274 : f32 to vector<16xf32>
    %swap3A_276 = arith.constant 608 : index
    %swap3A_277 = tpu.vector_load %arg6[%swap3A_276] {strides = array<i32>} : memref<640xf32, #tpu.memory_space<vmem>>, vector<16xf32>,
    %swap3A_278 = vector.shape_cast %swap3A_277 : vector<16xf32> to vector<16xf32>
    %swap3A_279 = vector.shape_cast %broadcast_in_dim3A_275 : vector<16xf32> to vector<16xf32>
    tpu.vector_store %arg6[%swap3A_276], %swap3A_279 {strides = array<i32>} : memref<640xf32, #tpu.memory_space<vmem>>, vector<16xf32>,
    %broadcast_in_dim3A_280 = arith.constant 0.000000e+00 : f32
    %broadcast_in_dim3A_281 = vector.broadcast %broadcast_in_dim3A_280 : f32 to vector<16xf32>
    %swap3A_282 = arith.constant 624 : index
    %swap3A_283 = tpu.vector_load %arg6[%swap3A_282] {strides = array<i32>} : memref<640xf32, #tpu.memory_space<vmem>>, vector<16xf32>,
    %swap3A_284 = vector.shape_cast %swap3A_283 : vector<16xf32> to vector<16xf32>
    %swap3A_285 = vector.shape_cast %broadcast_in_dim3A_281 : vector<16xf32> to vector<16xf32>
    tpu.vector_store %arg6[%swap3A_282], %swap3A_285 {strides = array<i32>} : memref<640xf32, #tpu.memory_space<vmem>>, vector<16xf32>,
    %mul3A = arith.constant 640 : i32
    %mul3A_286 = arith.muli %arg1, %mul3A : i32
    "tpu.region"() ({
      %run_scoped3A = tpu.sem_alloc : memref<!tpu.dma_semaphore, #tpu.memory_space<semaphore_mem>>
      %dma_start3A = tpu.memref_slice %arg7[%mul3A_286] : memref<10240xf32, #tpu.memory_space<vmem_shared>> -> memref<640xf32, #tpu.memory_space<vmem_shared>>
      %dma_start3A_301 = tpu.memref_slice %arg7[%mul3A_286] : memref<10240xf32, #tpu.memory_space<vmem_shared>> -> memref<640xf32, #tpu.memory_space<vmem_shared>>
      tpu.enqueue_dma source(%arg6 : memref<640xf32, #tpu.memory_space<vmem>>) target(%dma_start3A_301 : memref<640xf32, #tpu.memory_space<vmem_shared>>) target_semaphore(%run_scoped3A : memref<!tpu.dma_semaphore, #tpu.memory_space<semaphore_mem>>)
      %dma_wait3A = tpu.memref_slice %arg7[%mul3A_286] : memref<10240xf32, #tpu.memory_space<vmem_shared>> -> memref<640xf32, #tpu.memory_space<vmem_shared>>
      %dma_wait3A_302 = tpu.memref_slice %arg7[%mul3A_286] : memref<10240xf32, #tpu.memory_space<vmem_shared>> -> memref<640xf32, #tpu.memory_space<vmem_shared>>
      tpu.wait_dma2 semaphore(%run_scoped3A : memref<!tpu.dma_semaphore, #tpu.memory_space<semaphore_mem>>) src(%arg6 : memref<640xf32, #tpu.memory_space<vmem>>) dst(%dma_wait3A_302 : memref<640xf32, #tpu.memory_space<vmem_shared>>)
      tpu.yield
    }) : () -> ()
    %mul3A_287 = arith.constant 16 : i32
    %mul3A_288 = arith.muli %arg0, %mul3A_287 : i32
    %add3A = arith.addi %mul3A_288, %arg1 : i32
    %mul3A_289 = arith.constant 80 : i32
    %mul3A_290 = arith.muli %add3A, %mul3A_289 : i32
    "tpu.region"() ({
      %run_scoped3A = tpu.sem_alloc : memref<!tpu.dma_semaphore, #tpu.memory_space<semaphore_mem>>
      %dma_start3A = arith.constant 0 : i32
      %dma_start3A_301 = tpu.memref_slice %arg2[%mul3A_290, %dma_start3A] : memref<2560x128xi32, #tpu.memory_space<hbm>> -> memref<80x128xi32, #tpu.memory_space<hbm>>
      %dma_start3A_302 = arith.constant 0 : i32
      %dma_start3A_303 = tpu.memref_slice %arg2[%mul3A_290, %dma_start3A_302] : memref<2560x128xi32, #tpu.memory_space<hbm>> -> memref<80x128xi32, #tpu.memory_space<hbm>>
      tpu.enqueue_dma source(%dma_start3A_303 : memref<80x128xi32, #tpu.memory_space<hbm>>) target(%arg4 : memref<80x128xi32, #tpu.memory_space<vmem>>) target_semaphore(%run_scoped3A : memref<!tpu.dma_semaphore, #tpu.memory_space<semaphore_mem>>)
      %dma_wait3A = arith.constant 0 : i32
      %dma_wait3A_304 = tpu.memref_slice %arg2[%mul3A_290, %dma_wait3A] : memref<2560x128xi32, #tpu.memory_space<hbm>> -> memref<80x128xi32, #tpu.memory_space<hbm>>
      %dma_wait3A_305 = arith.constant 0 : i32
      %dma_wait3A_306 = tpu.memref_slice %arg2[%mul3A_290, %dma_wait3A_305] : memref<2560x128xi32, #tpu.memory_space<hbm>> -> memref<80x128xi32, #tpu.memory_space<hbm>>
      tpu.wait_dma2 semaphore(%run_scoped3A : memref<!tpu.dma_semaphore, #tpu.memory_space<semaphore_mem>>) src(%dma_wait3A_306 : memref<80x128xi32, #tpu.memory_space<hbm>>) dst(%arg4 : memref<80x128xi32, #tpu.memory_space<vmem>>)
      tpu.yield
    }) : () -> ()
    %barrier3A = arith.constant 0 : index
    tpu.barrier barrier_id(%barrier3A)
    %scan3A = arith.constant 0 : i32
    %scan3A_291 = arith.constant 0 : i32
    %scan3A_292 = arith.constant 80 : i32
    %scan3A_293 = arith.addi %scan3A_291, %scan3A_292 : i32
    %scan3A_294 = arith.constant 1 : i32
    scf.for %scan3A_301 = %scan3A_291 to %scan3A_293 step %scan3A_294  : i32 {
      "tpu.region"() ({
        %run_scoped3A = tpu.sem_alloc : memref<!tpu.dma_semaphore, #tpu.memory_space<semaphore_mem>>
        %dma_start3A = arith.constant 0 : i32
        %dma_start3A_302 = tpu.memref_slice %arg4[%scan3A_301, %dma_start3A] : memref<80x128xi32, #tpu.memory_space<vmem>> -> memref<1x128xi32, #tpu.memory_space<vmem>>
        %dma_start3A_303 = tpu.memref_squeeze %dma_start3A_302 : memref<1x128xi32, #tpu.memory_space<vmem>> -> memref<128xi32, #tpu.memory_space<vmem>>
        %dma_start3A_304 = arith.constant 0 : i32
        %dma_start3A_305 = tpu.memref_slice %arg7[%dma_start3A_304] : memref<10240xf32, #tpu.memory_space<vmem_shared>> -> memref<10240xf32, #tpu.memory_space<vmem_shared>>
        tpu.enqueue_indirect_dma source(%arg5 : memref<128xf32, #tpu.memory_space<vmem>>) target(%dma_start3A_305 : memref<10240xf32, #tpu.memory_space<vmem_shared>>) offsets(%dma_start3A_303 : memref<128xi32, #tpu.memory_space<vmem>>) semaphore(%run_scoped3A : memref<!tpu.dma_semaphore, #tpu.memory_space<semaphore_mem>>) {add = true}
        %dma_wait3A = arith.constant 0 : i32
        %dma_wait3A_306 = tpu.memref_slice %arg4[%scan3A_301, %dma_wait3A] : memref<80x128xi32, #tpu.memory_space<vmem>> -> memref<1x128xi32, #tpu.memory_space<vmem>>
        %dma_wait3A_307 = tpu.memref_squeeze %dma_wait3A_306 : memref<1x128xi32, #tpu.memory_space<vmem>> -> memref<128xi32, #tpu.memory_space<vmem>>
        %dma_wait3A_308 = arith.constant 0 : i32
        %dma_wait3A_309 = tpu.memref_slice %arg7[%dma_wait3A_308] : memref<10240xf32, #tpu.memory_space<vmem_shared>> -> memref<10240xf32, #tpu.memory_space<vmem_shared>>
        tpu.wait_indirect_dma semaphore(%run_scoped3A : memref<!tpu.dma_semaphore, #tpu.memory_space<semaphore_mem>>) src(%arg5 : memref<128xf32, #tpu.memory_space<vmem>>) dst(%dma_wait3A_309 : memref<10240xf32, #tpu.memory_space<vmem_shared>>)
        tpu.yield
      }) : () -> ()
    }
    %scan3A_295 = arith.constant 80 : i32
    %barrier3A_296 = arith.constant 0 : index
    tpu.barrier barrier_id(%barrier3A_296)
    %mul3A_297 = arith.constant 640 : i32
    %mul3A_298 = arith.muli %arg1, %mul3A_297 : i32
    %mul3A_299 = arith.constant 640 : i32
    %mul3A_300 = arith.muli %arg1, %mul3A_299 : i32
    "tpu.region"() ({
      %run_scoped3A = tpu.sem_alloc : memref<!tpu.dma_semaphore, #tpu.memory_space<semaphore_mem>>
      %dma_start3A = tpu.memref_slice %arg3[%arg0, %mul3A_300] : memref<2x10240xf32, #tpu.memory_space<hbm>> -> memref<1x640xf32, #tpu.memory_space<hbm>>
      %dma_start3A_301 = tpu.memref_squeeze %dma_start3A : memref<1x640xf32, #tpu.memory_space<hbm>> -> memref<640xf32, #tpu.memory_space<hbm>>
      %dma_start3A_302 = tpu.memref_slice %arg7[%mul3A_298] : memref<10240xf32, #tpu.memory_space<vmem_shared>> -> memref<640xf32, #tpu.memory_space<vmem_shared>>
      tpu.enqueue_dma source(%dma_start3A_302 : memref<640xf32, #tpu.memory_space<vmem_shared>>) target(%dma_start3A_301 : memref<640xf32, #tpu.memory_space<hbm>>) target_semaphore(%run_scoped3A : memref<!tpu.dma_semaphore, #tpu.memory_space<semaphore_mem>>)
      %dma_wait3A = tpu.memref_slice %arg3[%arg0, %mul3A_300] : memref<2x10240xf32, #tpu.memory_space<hbm>> -> memref<1x640xf32, #tpu.memory_space<hbm>>
      %dma_wait3A_303 = tpu.memref_squeeze %dma_wait3A : memref<1x640xf32, #tpu.memory_space<hbm>> -> memref<640xf32, #tpu.memory_space<hbm>>
      %dma_wait3A_304 = tpu.memref_slice %arg7[%mul3A_298] : memref<10240xf32, #tpu.memory_space<vmem_shared>> -> memref<640xf32, #tpu.memory_space<vmem_shared>>
      tpu.wait_dma2 semaphore(%run_scoped3A : memref<!tpu.dma_semaphore, #tpu.memory_space<semaphore_mem>>) src(%dma_wait3A_304 : memref<640xf32, #tpu.memory_space<vmem_shared>>) dst(%dma_wait3A_303 : memref<640xf32, #tpu.memory_space<hbm>>)
      tpu.yield
    }) : () -> ()
    return
  }
}

module attributes {stable_mosaic.version = 14 : i64} {
  func.func @_enc_body(%arg0: i32, %arg1: memref<640x736xf32, #tpu.memory_space<vmem>>, %arg2: memref<640x64xf32, #tpu.memory_space<vmem>>, %arg3: memref<2x640x1xf32, #tpu.memory_space<vmem>>, %arg4: memref<128x128xf32, #tpu.memory_space<vmem>>, %arg5: memref<1x128xf32, #tpu.memory_space<vmem>>, %arg6: memref<128x128xf32, #tpu.memory_space<vmem>>, %arg7: memref<1x128xf32, #tpu.memory_space<vmem>>, %arg8: memref<480x128xf32, #tpu.memory_space<vmem>>, %arg9: memref<1x128xf32, #tpu.memory_space<vmem>>, %arg10: memref<64x512xf32, #tpu.memory_space<vmem>>, %arg11: memref<1x512xf32, #tpu.memory_space<vmem>>, %arg12: memref<128x128xf32, #tpu.memory_space<vmem>>, %arg13: memref<128x128xf32, #tpu.memory_space<vmem>>, %arg14: memref<2x640x128xf32, #tpu.memory_space<vmem>>, %arg15: memref<2x640x128xf32, #tpu.memory_space<vmem>>, %arg16: memref<640x1xf32, #tpu.memory_space<vmem>>) attributes {dimension_semantics = [#tpu.dimension_semantics<arbitrary>], iteration_bounds = array<i64: 16>, scalar_prefetch = 0 : i64, scratch_operands = 0 : i64, tpu.core_type = #tpu.core_type<tc>, window_params = [{transform_indices = @transform_0, window_bounds = array<i64: 640, 736>}, {transform_indices = @transform_1, window_bounds = array<i64: 640, 64>}, {transform_indices = @transform_2, window_bounds = array<i64: 2, 640, 1>}, {pipeline_mode = #tpu.pipeline_mode<synchronous>, transform_indices = @transform_3, window_bounds = array<i64: 128, 128>}, {pipeline_mode = #tpu.pipeline_mode<synchronous>, transform_indices = @transform_4, window_bounds = array<i64: 1, 128>}, {pipeline_mode = #tpu.pipeline_mode<synchronous>, transform_indices = @transform_5, window_bounds = array<i64: 128, 128>}, {pipeline_mode = #tpu.pipeline_mode<synchronous>, transform_indices = @transform_6, window_bounds = array<i64: 1, 128>}, {pipeline_mode = #tpu.pipeline_mode<synchronous>, transform_indices = @transform_7, window_bounds = array<i64: 480, 128>}, {pipeline_mode = #tpu.pipeline_mode<synchronous>, transform_indices = @transform_8, window_bounds = array<i64: 1, 128>}, {pipeline_mode = #tpu.pipeline_mode<synchronous>, transform_indices = @transform_9, window_bounds = array<i64: 64, 512>}, {pipeline_mode = #tpu.pipeline_mode<synchronous>, transform_indices = @transform_10, window_bounds = array<i64: 1, 512>}, {pipeline_mode = #tpu.pipeline_mode<synchronous>, transform_indices = @transform_11, window_bounds = array<i64: 128, 128>}, {pipeline_mode = #tpu.pipeline_mode<synchronous>, transform_indices = @transform_12, window_bounds = array<i64: 128, 128>}, {transform_indices = @transform_13, window_bounds = array<i64: 2, 640, 128>}, {transform_indices = @transform_14, window_bounds = array<i64: 2, 640, 128>}, {transform_indices = @transform_15, window_bounds = array<i64: 640, 1>}]} {
    %get3A = arith.constant 0 : index
    %get3A_0 = arith.constant 0 : index
    %get3A_1 = vector.load %arg1[%get3A, %get3A_0] : memref<640x736xf32, #tpu.memory_space<vmem>>, vector<640x736xf32>
    %slice3A = vector.extract_strided_slice %get3A_1 {offsets = [0, 0], sizes = [640, 128], strides = [1, 1]} : vector<640x736xf32> to vector<640x128xf32>
    %get3A_2 = arith.constant 0 : index
    %get3A_3 = arith.constant 0 : index
    %get3A_4 = vector.load %arg4[%get3A_2, %get3A_3] : memref<128x128xf32, #tpu.memory_space<vmem>>, vector<128x128xf32>
    %dot_general3A = arith.constant dense<0.000000e+00> : vector<640x128xf32>
    %dot_general3A_5 = tpu.matmul %slice3A, %get3A_4, %dot_general3A {dimension_numbers = #tpu.dot_dimension_numbers<[1], [0], [0], [1], [0, 0, 1, 1], [], []>, transpose_lhs_hint = false} : vector<640x128xf32>, vector<128x128xf32>, vector<640x128xf32> -> vector<640x128xf32>
    %get3A_6 = arith.constant 0 : index
    %get3A_7 = arith.constant 0 : index
    %get3A_8 = vector.load %arg5[%get3A_6, %get3A_7] : memref<1x128xf32, #tpu.memory_space<vmem>>, vector<1x128xf32>
    %add3A = vector.broadcast %get3A_8 : vector<1x128xf32> to vector<640x128xf32>
    %add3A_9 = arith.addf %dot_general3A_5, %add3A : vector<640x128xf32>
    %jit3A = arith.constant 1.000000e-01 : f32
    %ge3A = arith.constant 0.000000e+00 : f32
    %ge3A_10 = vector.broadcast %ge3A : f32 to vector<640x128xf32>
    %ge3A_11 = arith.cmpf oge, %add3A_9, %ge3A_10 : vector<640x128xf32>
    %mul3A = vector.broadcast %jit3A : f32 to vector<640x128xf32>
    %mul3A_12 = arith.mulf %mul3A, %add3A_9 : vector<640x128xf32>
    %select_n3A = arith.select %ge3A_11, %add3A_9, %mul3A_12 : vector<640x128xi1>, vector<640x128xf32>
    %slice3A_13 = vector.extract_strided_slice %get3A_1 {offsets = [0, 128], sizes = [640, 128], strides = [1, 1]} : vector<640x736xf32> to vector<640x128xf32>
    %get3A_14 = arith.constant 0 : index
    %get3A_15 = arith.constant 0 : index
    %get3A_16 = vector.load %arg6[%get3A_14, %get3A_15] : memref<128x128xf32, #tpu.memory_space<vmem>>, vector<128x128xf32>
    %dot_general3A_17 = arith.constant dense<0.000000e+00> : vector<640x128xf32>
    %dot_general3A_18 = tpu.matmul %slice3A_13, %get3A_16, %dot_general3A_17 {dimension_numbers = #tpu.dot_dimension_numbers<[1], [0], [0], [1], [0, 0, 1, 1], [], []>, transpose_lhs_hint = false} : vector<640x128xf32>, vector<128x128xf32>, vector<640x128xf32> -> vector<640x128xf32>
    %get3A_19 = arith.constant 0 : index
    %get3A_20 = arith.constant 0 : index
    %get3A_21 = vector.load %arg7[%get3A_19, %get3A_20] : memref<1x128xf32, #tpu.memory_space<vmem>>, vector<1x128xf32>
    %add3A_22 = vector.broadcast %get3A_21 : vector<1x128xf32> to vector<640x128xf32>
    %add3A_23 = arith.addf %dot_general3A_18, %add3A_22 : vector<640x128xf32>
    %jit3A_24 = arith.constant 1.000000e-01 : f32
    %ge3A_25 = arith.constant 0.000000e+00 : f32
    %ge3A_26 = vector.broadcast %ge3A_25 : f32 to vector<640x128xf32>
    %ge3A_27 = arith.cmpf oge, %add3A_23, %ge3A_26 : vector<640x128xf32>
    %mul3A_28 = vector.broadcast %jit3A_24 : f32 to vector<640x128xf32>
    %mul3A_29 = arith.mulf %mul3A_28, %add3A_23 : vector<640x128xf32>
    %select_n3A_30 = arith.select %ge3A_27, %add3A_23, %mul3A_29 : vector<640x128xi1>, vector<640x128xf32>
    %add3A_31 = arith.addf %select_n3A, %select_n3A_30 : vector<640x128xf32>
    %slice3A_32 = vector.extract_strided_slice %get3A_1 {offsets = [0, 256], sizes = [640, 480], strides = [1, 1]} : vector<640x736xf32> to vector<640x480xf32>
    %get3A_33 = arith.constant 0 : index
    %get3A_34 = arith.constant 0 : index
    %get3A_35 = vector.load %arg8[%get3A_33, %get3A_34] : memref<480x128xf32, #tpu.memory_space<vmem>>, vector<480x128xf32>
    %dot_general3A_36 = arith.constant dense<0.000000e+00> : vector<640x128xf32>
    %dot_general3A_37 = tpu.matmul %slice3A_32, %get3A_35, %dot_general3A_36 {dimension_numbers = #tpu.dot_dimension_numbers<[1], [0], [0], [1], [0, 0, 1, 1], [], []>, transpose_lhs_hint = false} : vector<640x480xf32>, vector<480x128xf32>, vector<640x128xf32> -> vector<640x128xf32>
    %get3A_38 = arith.constant 0 : index
    %get3A_39 = arith.constant 0 : index
    %get3A_40 = vector.load %arg9[%get3A_38, %get3A_39] : memref<1x128xf32, #tpu.memory_space<vmem>>, vector<1x128xf32>
    %add3A_41 = vector.broadcast %get3A_40 : vector<1x128xf32> to vector<640x128xf32>
    %add3A_42 = arith.addf %dot_general3A_37, %add3A_41 : vector<640x128xf32>
    %jit3A_43 = arith.constant 1.000000e-01 : f32
    %ge3A_44 = arith.constant 0.000000e+00 : f32
    %ge3A_45 = vector.broadcast %ge3A_44 : f32 to vector<640x128xf32>
    %ge3A_46 = arith.cmpf oge, %add3A_42, %ge3A_45 : vector<640x128xf32>
    %mul3A_47 = vector.broadcast %jit3A_43 : f32 to vector<640x128xf32>
    %mul3A_48 = arith.mulf %mul3A_47, %add3A_42 : vector<640x128xf32>
    %select_n3A_49 = arith.select %ge3A_46, %add3A_42, %mul3A_48 : vector<640x128xi1>, vector<640x128xf32>
    %add3A_50 = arith.addf %add3A_31, %select_n3A_49 : vector<640x128xf32>
    %get3A_51 = arith.constant 0 : index
    %get3A_52 = arith.constant 0 : index
    %get3A_53 = vector.load %arg2[%get3A_51, %get3A_52] : memref<640x64xf32, #tpu.memory_space<vmem>>, vector<640x64xf32>
    %get3A_54 = arith.constant 0 : index
    %get3A_55 = arith.constant 0 : index
    %get3A_56 = vector.load %arg10[%get3A_54, %get3A_55] : memref<64x512xf32, #tpu.memory_space<vmem>>, vector<64x512xf32>
    %dot_general3A_57 = arith.constant dense<0.000000e+00> : vector<640x512xf32>
    %dot_general3A_58 = tpu.matmul %get3A_53, %get3A_56, %dot_general3A_57 {dimension_numbers = #tpu.dot_dimension_numbers<[1], [0], [0], [1], [0, 0, 1, 1], [], []>, transpose_lhs_hint = false} : vector<640x64xf32>, vector<64x512xf32>, vector<640x512xf32> -> vector<640x512xf32>
    %get3A_59 = arith.constant 0 : index
    %get3A_60 = arith.constant 0 : index
    %get3A_61 = vector.load %arg11[%get3A_59, %get3A_60] : memref<1x512xf32, #tpu.memory_space<vmem>>, vector<1x512xf32>
    %add3A_62 = vector.broadcast %get3A_61 : vector<1x512xf32> to vector<640x512xf32>
    %add3A_63 = arith.addf %dot_general3A_58, %add3A_62 : vector<640x512xf32>
    %slice3A_64 = vector.extract_strided_slice %add3A_63 {offsets = [0, 0], sizes = [640, 128], strides = [1, 1]} : vector<640x512xf32> to vector<640x128xf32>
    %jit3A_65 = arith.constant 1.000000e-01 : f32
    %ge3A_66 = arith.constant 0.000000e+00 : f32
    %ge3A_67 = vector.broadcast %ge3A_66 : f32 to vector<640x128xf32>
    %ge3A_68 = arith.cmpf oge, %slice3A_64, %ge3A_67 : vector<640x128xf32>
    %mul3A_69 = vector.broadcast %jit3A_65 : f32 to vector<640x128xf32>
    %mul3A_70 = arith.mulf %mul3A_69, %slice3A_64 : vector<640x128xf32>
    %select_n3A_71 = arith.select %ge3A_68, %slice3A_64, %mul3A_70 : vector<640x128xi1>, vector<640x128xf32>
    %slice3A_72 = vector.extract_strided_slice %add3A_63 {offsets = [0, 128], sizes = [640, 128], strides = [1, 1]} : vector<640x512xf32> to vector<640x128xf32>
    %jit3A_73 = arith.constant 1.000000e-01 : f32
    %ge3A_74 = arith.constant 0.000000e+00 : f32
    %ge3A_75 = vector.broadcast %ge3A_74 : f32 to vector<640x128xf32>
    %ge3A_76 = arith.cmpf oge, %slice3A_72, %ge3A_75 : vector<640x128xf32>
    %mul3A_77 = vector.broadcast %jit3A_73 : f32 to vector<640x128xf32>
    %mul3A_78 = arith.mulf %mul3A_77, %slice3A_72 : vector<640x128xf32>
    %select_n3A_79 = arith.select %ge3A_76, %slice3A_72, %mul3A_78 : vector<640x128xi1>, vector<640x128xf32>
    %add3A_80 = arith.addf %select_n3A_71, %select_n3A_79 : vector<640x128xf32>
    %slice3A_81 = vector.extract_strided_slice %add3A_63 {offsets = [0, 256], sizes = [640, 128], strides = [1, 1]} : vector<640x512xf32> to vector<640x128xf32>
    %jit3A_82 = arith.constant 1.000000e-01 : f32
    %ge3A_83 = arith.constant 0.000000e+00 : f32
    %ge3A_84 = vector.broadcast %ge3A_83 : f32 to vector<640x128xf32>
    %ge3A_85 = arith.cmpf oge, %slice3A_81, %ge3A_84 : vector<640x128xf32>
    %mul3A_86 = vector.broadcast %jit3A_82 : f32 to vector<640x128xf32>
    %mul3A_87 = arith.mulf %mul3A_86, %slice3A_81 : vector<640x128xf32>
    %select_n3A_88 = arith.select %ge3A_85, %slice3A_81, %mul3A_87 : vector<640x128xi1>, vector<640x128xf32>
    %add3A_89 = arith.addf %add3A_80, %select_n3A_88 : vector<640x128xf32>
    %slice3A_90 = vector.extract_strided_slice %add3A_63 {offsets = [0, 384], sizes = [640, 128], strides = [1, 1]} : vector<640x512xf32> to vector<640x128xf32>
    %jit3A_91 = arith.constant 1.000000e-01 : f32
    %ge3A_92 = arith.constant 0.000000e+00 : f32
    %ge3A_93 = vector.broadcast %ge3A_92 : f32 to vector<640x128xf32>
    %ge3A_94 = arith.cmpf oge, %slice3A_90, %ge3A_93 : vector<640x128xf32>
    %mul3A_95 = vector.broadcast %jit3A_91 : f32 to vector<640x128xf32>
    %mul3A_96 = arith.mulf %mul3A_95, %slice3A_90 : vector<640x128xf32>
    %select_n3A_97 = arith.select %ge3A_94, %slice3A_90, %mul3A_96 : vector<640x128xi1>, vector<640x128xf32>
    %add3A_98 = arith.addf %add3A_89, %select_n3A_97 : vector<640x128xf32>
    %get3A_99 = arith.constant 0 : index
    %get3A_100 = arith.constant 0 : index
    %get3A_101 = vector.load %arg12[%get3A_99, %get3A_100] : memref<128x128xf32, #tpu.memory_space<vmem>>, vector<128x128xf32>
    %dot_general3A_102 = arith.constant dense<0.000000e+00> : vector<640x128xf32>
    %dot_general3A_103 = tpu.matmul %add3A_50, %get3A_101, %dot_general3A_102 {dimension_numbers = #tpu.dot_dimension_numbers<[1], [0], [0], [1], [0, 0, 1, 1], [], []>, transpose_lhs_hint = false} : vector<640x128xf32>, vector<128x128xf32>, vector<640x128xf32> -> vector<640x128xf32>
    %get3A_104 = arith.constant 0 : index
    %get3A_105 = arith.constant 0 : index
    %get3A_106 = vector.load %arg13[%get3A_104, %get3A_105] : memref<128x128xf32, #tpu.memory_space<vmem>>, vector<128x128xf32>
    %dot_general3A_107 = arith.constant dense<0.000000e+00> : vector<640x128xf32>
    %dot_general3A_108 = tpu.matmul %add3A_98, %get3A_106, %dot_general3A_107 {dimension_numbers = #tpu.dot_dimension_numbers<[1], [0], [0], [1], [0, 0, 1, 1], [], []>, transpose_lhs_hint = false} : vector<640x128xf32>, vector<128x128xf32>, vector<640x128xf32> -> vector<640x128xf32>
    %get3A_109 = arith.constant 0 : index
    %get3A_110 = arith.constant 0 : index
    %get3A_111 = arith.constant 0 : index
    %get3A_112 = vector.load %arg3[%get3A_109, %get3A_110, %get3A_111] : memref<2x640x1xf32, #tpu.memory_space<vmem>>, vector<1x640x1xf32>
    %get3A_113 = vector.shape_cast %get3A_112 : vector<1x640x1xf32> to vector<640x1xf32>
    %get3A_114 = arith.constant 1 : index
    %get3A_115 = arith.constant 0 : index
    %get3A_116 = arith.constant 0 : index
    %get3A_117 = vector.load %arg3[%get3A_114, %get3A_115, %get3A_116] : memref<2x640x1xf32, #tpu.memory_space<vmem>>, vector<1x640x1xf32>
    %get3A_118 = vector.shape_cast %get3A_117 : vector<1x640x1xf32> to vector<640x1xf32>
    %add3A_119 = arith.addf %get3A_113, %get3A_118 : vector<640x1xf32>
    %add3A_120 = arith.constant 2.000000e+00 : f32
    %add3A_121 = vector.broadcast %add3A_120 : f32 to vector<640x1xf32>
    %add3A_122 = arith.addf %add3A_119, %add3A_121 : vector<640x1xf32>
    %rsqrt3A = math.rsqrt %add3A_122 : vector<640x1xf32>
    %mul3A_123 = vector.broadcast %rsqrt3A : vector<640x1xf32> to vector<640x128xf32>
    %mul3A_124 = arith.mulf %dot_general3A_103, %mul3A_123 : vector<640x128xf32>
    %mul3A_125 = vector.broadcast %rsqrt3A : vector<640x1xf32> to vector<640x128xf32>
    %mul3A_126 = arith.mulf %dot_general3A_108, %mul3A_125 : vector<640x128xf32>
    %swap3A = arith.constant 0 : index
    %swap3A_127 = arith.constant 0 : index
    %swap3A_128 = arith.constant 0 : index
    %swap3A_129 = vector.load %arg14[%swap3A, %swap3A_127, %swap3A_128] : memref<2x640x128xf32, #tpu.memory_space<vmem>>, vector<1x640x128xf32>
    %swap3A_130 = vector.shape_cast %swap3A_129 : vector<1x640x128xf32> to vector<640x128xf32>
    %swap3A_131 = vector.shape_cast %mul3A_124 : vector<640x128xf32> to vector<1x640x128xf32>
    tpu.vector_store %arg14[%swap3A, %swap3A_127, %swap3A_128], %swap3A_131 {strides = array<i32>} : memref<2x640x128xf32, #tpu.memory_space<vmem>>, vector<1x640x128xf32>,
    %swap3A_132 = arith.constant 1 : index
    %swap3A_133 = arith.constant 0 : index
    %swap3A_134 = arith.constant 0 : index
    %swap3A_135 = vector.load %arg14[%swap3A_132, %swap3A_133, %swap3A_134] : memref<2x640x128xf32, #tpu.memory_space<vmem>>, vector<1x640x128xf32>
    %swap3A_136 = vector.shape_cast %swap3A_135 : vector<1x640x128xf32> to vector<640x128xf32>
    %swap3A_137 = vector.shape_cast %mul3A_126 : vector<640x128xf32> to vector<1x640x128xf32>
    tpu.vector_store %arg14[%swap3A_132, %swap3A_133, %swap3A_134], %swap3A_137 {strides = array<i32>} : memref<2x640x128xf32, #tpu.memory_space<vmem>>, vector<1x640x128xf32>,
    %mul3A_138 = arith.constant 2.000000e+00 : f32
    %mul3A_139 = vector.broadcast %mul3A_138 : f32 to vector<640x128xf32>
    %mul3A_140 = arith.mulf %mul3A_139, %mul3A_124 : vector<640x128xf32>
    %swap3A_141 = arith.constant 0 : index
    %swap3A_142 = arith.constant 0 : index
    %swap3A_143 = arith.constant 0 : index
    %swap3A_144 = vector.load %arg15[%swap3A_141, %swap3A_142, %swap3A_143] : memref<2x640x128xf32, #tpu.memory_space<vmem>>, vector<1x640x128xf32>
    %swap3A_145 = vector.shape_cast %swap3A_144 : vector<1x640x128xf32> to vector<640x128xf32>
    %swap3A_146 = vector.shape_cast %mul3A_140 : vector<640x128xf32> to vector<1x640x128xf32>
    tpu.vector_store %arg15[%swap3A_141, %swap3A_142, %swap3A_143], %swap3A_146 {strides = array<i32>} : memref<2x640x128xf32, #tpu.memory_space<vmem>>, vector<1x640x128xf32>,
    %mul3A_147 = arith.constant 2.000000e+00 : f32
    %mul3A_148 = vector.broadcast %mul3A_147 : f32 to vector<640x128xf32>
    %mul3A_149 = arith.mulf %mul3A_148, %mul3A_126 : vector<640x128xf32>
    %swap3A_150 = arith.constant 1 : index
    %swap3A_151 = arith.constant 0 : index
    %swap3A_152 = arith.constant 0 : index
    %swap3A_153 = vector.load %arg15[%swap3A_150, %swap3A_151, %swap3A_152] : memref<2x640x128xf32, #tpu.memory_space<vmem>>, vector<1x640x128xf32>
    %swap3A_154 = vector.shape_cast %swap3A_153 : vector<1x640x128xf32> to vector<640x128xf32>
    %swap3A_155 = vector.shape_cast %mul3A_149 : vector<640x128xf32> to vector<1x640x128xf32>
    tpu.vector_store %arg15[%swap3A_150, %swap3A_151, %swap3A_152], %swap3A_155 {strides = array<i32>} : memref<2x640x128xf32, #tpu.memory_space<vmem>>, vector<1x640x128xf32>,
    %swap3A_156 = arith.constant 0 : index
    %swap3A_157 = arith.constant 0 : index
    %swap3A_158 = vector.load %arg16[%swap3A_156, %swap3A_157] : memref<640x1xf32, #tpu.memory_space<vmem>>, vector<640x1xf32>
    tpu.vector_store %arg16[%swap3A_156, %swap3A_157], %rsqrt3A {strides = array<i32>} : memref<640x1xf32, #tpu.memory_space<vmem>>, vector<640x1xf32>,
    return
  }
  func.func @transform_0(%arg0: i32) -> (i32, i32) {
    %c0_i32 = arith.constant 0 : i32
    %c0_i32_0 = arith.constant 0 : i32
    return %arg0, %c0_i32 : i32, i32
  }
  func.func @transform_1(%arg0: i32) -> (i32, i32) {
    %c0_i32 = arith.constant 0 : i32
    %c0_i32_0 = arith.constant 0 : i32
    return %arg0, %c0_i32 : i32, i32
  }
  func.func @transform_2(%arg0: i32) -> (i32, i32, i32) {
    %c0_i32 = arith.constant 0 : i32
    %c0_i32_0 = arith.constant 0 : i32
    %c0_i32_1 = arith.constant 0 : i32
    return %c0_i32, %arg0, %c0_i32_0 : i32, i32, i32
  }
  func.func @transform_3(%arg0: i32) -> (i32, i32) {
    %c0_i32 = arith.constant 0 : i32
    %c0_i32_0 = arith.constant 0 : i32
    %c0_i32_1 = arith.constant 0 : i32
    return %c0_i32, %c0_i32_0 : i32, i32
  }
  func.func @transform_4(%arg0: i32) -> (i32, i32) {
    %c0_i32 = arith.constant 0 : i32
    %c0_i32_0 = arith.constant 0 : i32
    %c0_i32_1 = arith.constant 0 : i32
    return %c0_i32, %c0_i32_0 : i32, i32
  }
  func.func @transform_5(%arg0: i32) -> (i32, i32) {
    %c0_i32 = arith.constant 0 : i32
    %c0_i32_0 = arith.constant 0 : i32
    %c0_i32_1 = arith.constant 0 : i32
    return %c0_i32, %c0_i32_0 : i32, i32
  }
  func.func @transform_6(%arg0: i32) -> (i32, i32) {
    %c0_i32 = arith.constant 0 : i32
    %c0_i32_0 = arith.constant 0 : i32
    %c0_i32_1 = arith.constant 0 : i32
    return %c0_i32, %c0_i32_0 : i32, i32
  }
  func.func @transform_7(%arg0: i32) -> (i32, i32) {
    %c0_i32 = arith.constant 0 : i32
    %c0_i32_0 = arith.constant 0 : i32
    %c0_i32_1 = arith.constant 0 : i32
    return %c0_i32, %c0_i32_0 : i32, i32
  }
  func.func @transform_8(%arg0: i32) -> (i32, i32) {
    %c0_i32 = arith.constant 0 : i32
    %c0_i32_0 = arith.constant 0 : i32
    %c0_i32_1 = arith.constant 0 : i32
    return %c0_i32, %c0_i32_0 : i32, i32
  }
  func.func @transform_9(%arg0: i32) -> (i32, i32) {
    %c0_i32 = arith.constant 0 : i32
    %c0_i32_0 = arith.constant 0 : i32
    %c0_i32_1 = arith.constant 0 : i32
    return %c0_i32, %c0_i32_0 : i32, i32
  }
  func.func @transform_10(%arg0: i32) -> (i32, i32) {
    %c0_i32 = arith.constant 0 : i32
    %c0_i32_0 = arith.constant 0 : i32
    %c0_i32_1 = arith.constant 0 : i32
    return %c0_i32, %c0_i32_0 : i32, i32
  }
  func.func @transform_11(%arg0: i32) -> (i32, i32) {
    %c0_i32 = arith.constant 0 : i32
    %c0_i32_0 = arith.constant 0 : i32
    %c0_i32_1 = arith.constant 0 : i32
    return %c0_i32, %c0_i32_0 : i32, i32
  }
  func.func @transform_12(%arg0: i32) -> (i32, i32) {
    %c0_i32 = arith.constant 0 : i32
    %c0_i32_0 = arith.constant 0 : i32
    %c0_i32_1 = arith.constant 0 : i32
    return %c0_i32, %c0_i32_0 : i32, i32
  }
  func.func @transform_13(%arg0: i32) -> (i32, i32, i32) {
    %c0_i32 = arith.constant 0 : i32
    %c0_i32_0 = arith.constant 0 : i32
    %c0_i32_1 = arith.constant 0 : i32
    return %c0_i32, %arg0, %c0_i32_0 : i32, i32, i32
  }
  func.func @transform_14(%arg0: i32) -> (i32, i32, i32) {
    %c0_i32 = arith.constant 0 : i32
    %c0_i32_0 = arith.constant 0 : i32
    %c0_i32_1 = arith.constant 0 : i32
    return %c0_i32, %arg0, %c0_i32_0 : i32, i32, i32
  }
  func.func @transform_15(%arg0: i32) -> (i32, i32) {
    %c0_i32 = arith.constant 0 : i32
    %c0_i32_0 = arith.constant 0 : i32
    return %arg0, %c0_i32 : i32, i32
  }
}

module attributes {stable_mosaic.version = 14 : i64} {
  func.func @_head_body(%arg0: i32, %arg1: memref<2x1000x128xf32, #tpu.memory_space<vmem>>, %arg2: memref<1000x1xf32, #tpu.memory_space<vmem>>, %arg3: memref<1x128xf32, #tpu.memory_space<vmem>>, %arg4: memref<1x128xf32, #tpu.memory_space<vmem>>, %arg5: memref<256x128xf32, #tpu.memory_space<vmem>>, %arg6: memref<1x128xf32, #tpu.memory_space<vmem>>, %arg7: memref<128x128xf32, #tpu.memory_space<vmem>>, %arg8: memref<1x128xf32, #tpu.memory_space<vmem>>, %arg9: memref<128x128xf32, #tpu.memory_space<vmem>>, %arg10: memref<1x128xf32, #tpu.memory_space<vmem>>, %arg11: memref<128x4xf32, #tpu.memory_space<vmem>>, %arg12: memref<128x4xf32, #tpu.memory_space<vmem>>, %arg13: memref<1x4xf32, #tpu.memory_space<vmem>>, %arg14: memref<1000x4xf32, #tpu.memory_space<vmem>>) attributes {dimension_semantics = [#tpu.dimension_semantics<arbitrary>], iteration_bounds = array<i64: 10>, scalar_prefetch = 0 : i64, scratch_operands = 0 : i64, tpu.core_type = #tpu.core_type<tc>, window_params = [{transform_indices = @transform_0, window_bounds = array<i64: 2, 1000, 128>}, {transform_indices = @transform_1, window_bounds = array<i64: 1000, 1>}, {pipeline_mode = #tpu.pipeline_mode<synchronous>, transform_indices = @transform_2, window_bounds = array<i64: 1, 128>}, {pipeline_mode = #tpu.pipeline_mode<synchronous>, transform_indices = @transform_3, window_bounds = array<i64: 1, 128>}, {pipeline_mode = #tpu.pipeline_mode<synchronous>, transform_indices = @transform_4, window_bounds = array<i64: 256, 128>}, {pipeline_mode = #tpu.pipeline_mode<synchronous>, transform_indices = @transform_5, window_bounds = array<i64: 1, 128>}, {pipeline_mode = #tpu.pipeline_mode<synchronous>, transform_indices = @transform_6, window_bounds = array<i64: 128, 128>}, {pipeline_mode = #tpu.pipeline_mode<synchronous>, transform_indices = @transform_7, window_bounds = array<i64: 1, 128>}, {pipeline_mode = #tpu.pipeline_mode<synchronous>, transform_indices = @transform_8, window_bounds = array<i64: 128, 128>}, {pipeline_mode = #tpu.pipeline_mode<synchronous>, transform_indices = @transform_9, window_bounds = array<i64: 1, 128>}, {pipeline_mode = #tpu.pipeline_mode<synchronous>, transform_indices = @transform_10, window_bounds = array<i64: 128, 4>}, {pipeline_mode = #tpu.pipeline_mode<synchronous>, transform_indices = @transform_11, window_bounds = array<i64: 128, 4>}, {pipeline_mode = #tpu.pipeline_mode<synchronous>, transform_indices = @transform_12, window_bounds = array<i64: 1, 4>}, {transform_indices = @transform_13, window_bounds = array<i64: 1000, 4>}]} {
    %get3A = arith.constant 0 : index
    %get3A_0 = arith.constant 0 : index
    %get3A_1 = vector.load %arg2[%get3A, %get3A_0] : memref<1000x1xf32, #tpu.memory_space<vmem>>, vector<1000x1xf32>
    %get3A_2 = arith.constant 0 : index
    %get3A_3 = arith.constant 0 : index
    %get3A_4 = arith.constant 0 : index
    %get3A_5 = vector.load %arg1[%get3A_2, %get3A_3, %get3A_4] : memref<2x1000x128xf32, #tpu.memory_space<vmem>>, vector<1x1000x128xf32>
    %get3A_6 = vector.shape_cast %get3A_5 : vector<1x1000x128xf32> to vector<1000x128xf32>
    %mul3A = vector.broadcast %get3A_1 : vector<1000x1xf32> to vector<1000x128xf32>
    %mul3A_7 = arith.mulf %get3A_6, %mul3A : vector<1000x128xf32>
    %get3A_8 = arith.constant 0 : index
    %get3A_9 = arith.constant 0 : index
    %get3A_10 = vector.load %arg3[%get3A_8, %get3A_9] : memref<1x128xf32, #tpu.memory_space<vmem>>, vector<1x128xf32>
    %add3A = vector.broadcast %get3A_10 : vector<1x128xf32> to vector<1000x128xf32>
    %add3A_11 = arith.addf %mul3A_7, %add3A : vector<1000x128xf32>
    %jit3A = arith.constant 1.000000e-01 : f32
    %ge3A = arith.constant 0.000000e+00 : f32
    %ge3A_12 = vector.broadcast %ge3A : f32 to vector<1000x128xf32>
    %ge3A_13 = arith.cmpf oge, %add3A_11, %ge3A_12 : vector<1000x128xf32>
    %mul3A_14 = vector.broadcast %jit3A : f32 to vector<1000x128xf32>
    %mul3A_15 = arith.mulf %mul3A_14, %add3A_11 : vector<1000x128xf32>
    %select_n3A = arith.select %ge3A_13, %add3A_11, %mul3A_15 : vector<1000x128xi1>, vector<1000x128xf32>
    %get3A_16 = arith.constant 1 : index
    %get3A_17 = arith.constant 0 : index
    %get3A_18 = arith.constant 0 : index
    %get3A_19 = vector.load %arg1[%get3A_16, %get3A_17, %get3A_18] : memref<2x1000x128xf32, #tpu.memory_space<vmem>>, vector<1x1000x128xf32>
    %get3A_20 = vector.shape_cast %get3A_19 : vector<1x1000x128xf32> to vector<1000x128xf32>
    %mul3A_21 = vector.broadcast %get3A_1 : vector<1000x1xf32> to vector<1000x128xf32>
    %mul3A_22 = arith.mulf %get3A_20, %mul3A_21 : vector<1000x128xf32>
    %get3A_23 = arith.constant 0 : index
    %get3A_24 = arith.constant 0 : index
    %get3A_25 = vector.load %arg4[%get3A_23, %get3A_24] : memref<1x128xf32, #tpu.memory_space<vmem>>, vector<1x128xf32>
    %add3A_26 = vector.broadcast %get3A_25 : vector<1x128xf32> to vector<1000x128xf32>
    %add3A_27 = arith.addf %mul3A_22, %add3A_26 : vector<1000x128xf32>
    %jit3A_28 = arith.constant 1.000000e-01 : f32
    %ge3A_29 = arith.constant 0.000000e+00 : f32
    %ge3A_30 = vector.broadcast %ge3A_29 : f32 to vector<1000x128xf32>
    %ge3A_31 = arith.cmpf oge, %add3A_27, %ge3A_30 : vector<1000x128xf32>
    %mul3A_32 = vector.broadcast %jit3A_28 : f32 to vector<1000x128xf32>
    %mul3A_33 = arith.mulf %mul3A_32, %add3A_27 : vector<1000x128xf32>
    %select_n3A_34 = arith.select %ge3A_31, %add3A_27, %mul3A_33 : vector<1000x128xi1>, vector<1000x128xf32>
    %get3A_35 = arith.constant 0 : index
    %get3A_36 = arith.constant 0 : index
    %get3A_37 = vector.load %arg5[%get3A_35, %get3A_36] : memref<256x128xf32, #tpu.memory_space<vmem>>, vector<128x128xf32>
    %dot_general3A = arith.constant dense<0.000000e+00> : vector<1000x128xf32>
    %dot_general3A_38 = tpu.matmul %select_n3A, %get3A_37, %dot_general3A {dimension_numbers = #tpu.dot_dimension_numbers<[1], [0], [0], [1], [0, 0, 1, 1], [], []>, transpose_lhs_hint = false} : vector<1000x128xf32>, vector<128x128xf32>, vector<1000x128xf32> -> vector<1000x128xf32>
    %get3A_39 = arith.constant 128 : index
    %get3A_40 = arith.constant 0 : index
    %get3A_41 = vector.load %arg5[%get3A_39, %get3A_40] : memref<256x128xf32, #tpu.memory_space<vmem>>, vector<128x128xf32>
    %dot_general3A_42 = arith.constant dense<0.000000e+00> : vector<1000x128xf32>
    %dot_general3A_43 = tpu.matmul %select_n3A_34, %get3A_41, %dot_general3A_42 {dimension_numbers = #tpu.dot_dimension_numbers<[1], [0], [0], [1], [0, 0, 1, 1], [], []>, transpose_lhs_hint = false} : vector<1000x128xf32>, vector<128x128xf32>, vector<1000x128xf32> -> vector<1000x128xf32>
    %add3A_44 = arith.addf %dot_general3A_38, %dot_general3A_43 : vector<1000x128xf32>
    %get3A_45 = arith.constant 0 : index
    %get3A_46 = arith.constant 0 : index
    %get3A_47 = vector.load %arg6[%get3A_45, %get3A_46] : memref<1x128xf32, #tpu.memory_space<vmem>>, vector<1x128xf32>
    %add3A_48 = vector.broadcast %get3A_47 : vector<1x128xf32> to vector<1000x128xf32>
    %add3A_49 = arith.addf %add3A_44, %add3A_48 : vector<1000x128xf32>
    %jit3A_50 = arith.constant 1.000000e-01 : f32
    %ge3A_51 = arith.constant 0.000000e+00 : f32
    %ge3A_52 = vector.broadcast %ge3A_51 : f32 to vector<1000x128xf32>
    %ge3A_53 = arith.cmpf oge, %add3A_49, %ge3A_52 : vector<1000x128xf32>
    %mul3A_54 = vector.broadcast %jit3A_50 : f32 to vector<1000x128xf32>
    %mul3A_55 = arith.mulf %mul3A_54, %add3A_49 : vector<1000x128xf32>
    %select_n3A_56 = arith.select %ge3A_53, %add3A_49, %mul3A_55 : vector<1000x128xi1>, vector<1000x128xf32>
    %get3A_57 = arith.constant 0 : index
    %get3A_58 = arith.constant 0 : index
    %get3A_59 = vector.load %arg7[%get3A_57, %get3A_58] : memref<128x128xf32, #tpu.memory_space<vmem>>, vector<128x128xf32>
    %dot_general3A_60 = arith.constant dense<0.000000e+00> : vector<1000x128xf32>
    %dot_general3A_61 = tpu.matmul %select_n3A_56, %get3A_59, %dot_general3A_60 {dimension_numbers = #tpu.dot_dimension_numbers<[1], [0], [0], [1], [0, 0, 1, 1], [], []>, transpose_lhs_hint = false} : vector<1000x128xf32>, vector<128x128xf32>, vector<1000x128xf32> -> vector<1000x128xf32>
    %get3A_62 = arith.constant 0 : index
    %get3A_63 = arith.constant 0 : index
    %get3A_64 = vector.load %arg8[%get3A_62, %get3A_63] : memref<1x128xf32, #tpu.memory_space<vmem>>, vector<1x128xf32>
    %add3A_65 = vector.broadcast %get3A_64 : vector<1x128xf32> to vector<1000x128xf32>
    %add3A_66 = arith.addf %dot_general3A_61, %add3A_65 : vector<1000x128xf32>
    %jit3A_67 = arith.constant 1.000000e-01 : f32
    %ge3A_68 = arith.constant 0.000000e+00 : f32
    %ge3A_69 = vector.broadcast %ge3A_68 : f32 to vector<1000x128xf32>
    %ge3A_70 = arith.cmpf oge, %add3A_66, %ge3A_69 : vector<1000x128xf32>
    %mul3A_71 = vector.broadcast %jit3A_67 : f32 to vector<1000x128xf32>
    %mul3A_72 = arith.mulf %mul3A_71, %add3A_66 : vector<1000x128xf32>
    %select_n3A_73 = arith.select %ge3A_70, %add3A_66, %mul3A_72 : vector<1000x128xi1>, vector<1000x128xf32>
    %get3A_74 = arith.constant 0 : index
    %get3A_75 = arith.constant 0 : index
    %get3A_76 = vector.load %arg9[%get3A_74, %get3A_75] : memref<128x128xf32, #tpu.memory_space<vmem>>, vector<128x128xf32>
    %dot_general3A_77 = arith.constant dense<0.000000e+00> : vector<1000x128xf32>
    %dot_general3A_78 = tpu.matmul %select_n3A_56, %get3A_76, %dot_general3A_77 {dimension_numbers = #tpu.dot_dimension_numbers<[1], [0], [0], [1], [0, 0, 1, 1], [], []>, transpose_lhs_hint = false} : vector<1000x128xf32>, vector<128x128xf32>, vector<1000x128xf32> -> vector<1000x128xf32>
    %get3A_79 = arith.constant 0 : index
    %get3A_80 = arith.constant 0 : index
    %get3A_81 = vector.load %arg10[%get3A_79, %get3A_80] : memref<1x128xf32, #tpu.memory_space<vmem>>, vector<1x128xf32>
    %add3A_82 = vector.broadcast %get3A_81 : vector<1x128xf32> to vector<1000x128xf32>
    %add3A_83 = arith.addf %dot_general3A_78, %add3A_82 : vector<1000x128xf32>
    %jit3A_84 = arith.constant 1.000000e-01 : f32
    %ge3A_85 = arith.constant 0.000000e+00 : f32
    %ge3A_86 = vector.broadcast %ge3A_85 : f32 to vector<1000x128xf32>
    %ge3A_87 = arith.cmpf oge, %add3A_83, %ge3A_86 : vector<1000x128xf32>
    %mul3A_88 = vector.broadcast %jit3A_84 : f32 to vector<1000x128xf32>
    %mul3A_89 = arith.mulf %mul3A_88, %add3A_83 : vector<1000x128xf32>
    %select_n3A_90 = arith.select %ge3A_87, %add3A_83, %mul3A_89 : vector<1000x128xi1>, vector<1000x128xf32>
    %get3A_91 = arith.constant 0 : index
    %get3A_92 = arith.constant 0 : index
    %get3A_93 = vector.load %arg11[%get3A_91, %get3A_92] : memref<128x4xf32, #tpu.memory_space<vmem>>, vector<128x4xf32>
    %dot_general3A_94 = arith.constant dense<0.000000e+00> : vector<1000x4xf32>
    %dot_general3A_95 = tpu.matmul %select_n3A_73, %get3A_93, %dot_general3A_94 {dimension_numbers = #tpu.dot_dimension_numbers<[1], [0], [0], [1], [0, 0, 1, 1], [], []>, transpose_lhs_hint = false} : vector<1000x128xf32>, vector<128x4xf32>, vector<1000x4xf32> -> vector<1000x4xf32>
    %get3A_96 = arith.constant 0 : index
    %get3A_97 = arith.constant 0 : index
    %get3A_98 = vector.load %arg12[%get3A_96, %get3A_97] : memref<128x4xf32, #tpu.memory_space<vmem>>, vector<128x4xf32>
    %dot_general3A_99 = arith.constant dense<0.000000e+00> : vector<1000x4xf32>
    %dot_general3A_100 = tpu.matmul %select_n3A_90, %get3A_98, %dot_general3A_99 {dimension_numbers = #tpu.dot_dimension_numbers<[1], [0], [0], [1], [0, 0, 1, 1], [], []>, transpose_lhs_hint = false} : vector<1000x128xf32>, vector<128x4xf32>, vector<1000x4xf32> -> vector<1000x4xf32>
    %add3A_101 = arith.addf %dot_general3A_95, %dot_general3A_100 : vector<1000x4xf32>
    %get3A_102 = arith.constant 0 : index
    %get3A_103 = arith.constant 0 : index
    %get3A_104 = vector.load %arg13[%get3A_102, %get3A_103] : memref<1x4xf32, #tpu.memory_space<vmem>>, vector<1x4xf32>
    %add3A_105 = vector.broadcast %get3A_104 : vector<1x4xf32> to vector<1000x4xf32>
    %add3A_106 = arith.addf %add3A_101, %add3A_105 : vector<1000x4xf32>
    %swap3A = arith.constant 0 : index
    %swap3A_107 = arith.constant 0 : index
    %swap3A_108 = vector.load %arg14[%swap3A, %swap3A_107] : memref<1000x4xf32, #tpu.memory_space<vmem>>, vector<1000x4xf32>
    tpu.vector_store %arg14[%swap3A, %swap3A_107], %add3A_106 {strides = array<i32>} : memref<1000x4xf32, #tpu.memory_space<vmem>>, vector<1000x4xf32>,
    return
  }
  func.func @transform_0(%arg0: i32) -> (i32, i32, i32) {
    %c0_i32 = arith.constant 0 : i32
    %c0_i32_0 = arith.constant 0 : i32
    %c0_i32_1 = arith.constant 0 : i32
    return %c0_i32, %arg0, %c0_i32_0 : i32, i32, i32
  }
  func.func @transform_1(%arg0: i32) -> (i32, i32) {
    %c0_i32 = arith.constant 0 : i32
    %c0_i32_0 = arith.constant 0 : i32
    return %arg0, %c0_i32 : i32, i32
  }
  func.func @transform_2(%arg0: i32) -> (i32, i32) {
    %c0_i32 = arith.constant 0 : i32
    %c0_i32_0 = arith.constant 0 : i32
    %c0_i32_1 = arith.constant 0 : i32
    return %c0_i32, %c0_i32_0 : i32, i32
  }
  func.func @transform_3(%arg0: i32) -> (i32, i32) {
    %c0_i32 = arith.constant 0 : i32
    %c0_i32_0 = arith.constant 0 : i32
    %c0_i32_1 = arith.constant 0 : i32
    return %c0_i32, %c0_i32_0 : i32, i32
  }
  func.func @transform_4(%arg0: i32) -> (i32, i32) {
    %c0_i32 = arith.constant 0 : i32
    %c0_i32_0 = arith.constant 0 : i32
    %c0_i32_1 = arith.constant 0 : i32
    return %c0_i32, %c0_i32_0 : i32, i32
  }
  func.func @transform_5(%arg0: i32) -> (i32, i32) {
    %c0_i32 = arith.constant 0 : i32
    %c0_i32_0 = arith.constant 0 : i32
    %c0_i32_1 = arith.constant 0 : i32
    return %c0_i32, %c0_i32_0 : i32, i32
  }
  func.func @transform_6(%arg0: i32) -> (i32, i32) {
    %c0_i32 = arith.constant 0 : i32
    %c0_i32_0 = arith.constant 0 : i32
    %c0_i32_1 = arith.constant 0 : i32
    return %c0_i32, %c0_i32_0 : i32, i32
  }
  func.func @transform_7(%arg0: i32) -> (i32, i32) {
    %c0_i32 = arith.constant 0 : i32
    %c0_i32_0 = arith.constant 0 : i32
    %c0_i32_1 = arith.constant 0 : i32
    return %c0_i32, %c0_i32_0 : i32, i32
  }
  func.func @transform_8(%arg0: i32) -> (i32, i32) {
    %c0_i32 = arith.constant 0 : i32
    %c0_i32_0 = arith.constant 0 : i32
    %c0_i32_1 = arith.constant 0 : i32
    return %c0_i32, %c0_i32_0 : i32, i32
  }
  func.func @transform_9(%arg0: i32) -> (i32, i32) {
    %c0_i32 = arith.constant 0 : i32
    %c0_i32_0 = arith.constant 0 : i32
    %c0_i32_1 = arith.constant 0 : i32
    return %c0_i32, %c0_i32_0 : i32, i32
  }
  func.func @transform_10(%arg0: i32) -> (i32, i32) {
    %c0_i32 = arith.constant 0 : i32
    %c0_i32_0 = arith.constant 0 : i32
    %c0_i32_1 = arith.constant 0 : i32
    return %c0_i32, %c0_i32_0 : i32, i32
  }
  func.func @transform_11(%arg0: i32) -> (i32, i32) {
    %c0_i32 = arith.constant 0 : i32
    %c0_i32_0 = arith.constant 0 : i32
    %c0_i32_1 = arith.constant 0 : i32
    return %c0_i32, %c0_i32_0 : i32, i32
  }
  func.func @transform_12(%arg0: i32) -> (i32, i32) {
    %c0_i32 = arith.constant 0 : i32
    %c0_i32_0 = arith.constant 0 : i32
    %c0_i32_1 = arith.constant 0 : i32
    return %c0_i32, %c0_i32_0 : i32, i32
  }
  func.func @transform_13(%arg0: i32) -> (i32, i32) {
    %c0_i32 = arith.constant 0 : i32
    %c0_i32_0 = arith.constant 0 : i32
    return %arg0, %c0_i32 : i32, i32
  }
}

</mosaic_0001>

<sc_bundles>
// kernel: kernel.6.cloned.1.call-start
scs
__scs_entry_jumppad:
0x0: {  	(pc) =	sbr.rel $0x88, $3  }
0x1: {  	(tag) =	ssettag $0x0;
	lr =	simm.s32 $0x1  }
0x2: {  	[smem:$0x3F82] =	sst lr;
	_ =	strace $0xD0000000  }
0x3: {  	_ = 	snop  }
0x4: {  	_ = 	snop  }
0x5: {  	_ = 	snop  }
0x6: {  	_ = 	snop  }
0x7: {  	_ = 	snop  }
__scs_overlays_trampoline_lowered:
0x8: {  	[smem:$0x3F91] =	sst s0  }
0x9: {  	[smem:$0x3F92] =	sst s1  }
0xa: {  	[smem:$0x3F93] =	sst s2  }
0xb: {  	[smem:$0x3F94] =	sst s3  }
0xc: {  	[smem:$0x3F95] =	sst s4  }
0xd: {  	[smem:$0x3F96] =	sst s5  }
0xe: {  	[smem:$0x3F97] =	sst s6  }
0xf: {  	[smem:$0x3F98] =	sst s7  }
0x10: {  	[smem:$0x3F99] =	sst s8  }
0x11: {  	[smem:$0x3F9A] =	sst s9;
	s0 =	simm.s32 @!p0 $0x0  }
0x12: {  	s1 =	sld [smem:$0x3F80];
	s0 =	simm.s32 @p0 $0x1  }
0x13: {  	[smem:$0x3F9B] =	sst s0;
	s0 =	simm.s32 @!p1 $0x0  }
0x14: {  	s2 =	sld [smem:$0x3F7F];
	s0 =	simm.s32 @p1 $0x1  }
0x15: {  	[smem:$0x3F9C] =	sst s0;
	s0 =	simm.s32 @!p2 $0x0  }
0x16: {  	s3 =	sld [smem:$0x3FDB];
	s0 =	simm.s32 @p2 $0x1  }
0x17: {  	s4 =	simm.s32 $0x1BF5;
	[smem:$0x3F9E] =	sst s0  }
0x18: {  	s0 =	sld [smem:$0x3F81];
	_ =	swait.ge [sflag:s4], $0x0  }
0x19: {  	s7 =	sld [smem:$0x3F82]  }
0x1a: {  	s8 =	sadd.s32 $0xFFFFE003, lr  }
0x1b: {  	s9 =	sadd.s32 $0xFFFFFEF7, lr;
	s5 =	simm.s32 $0xFFFFFFFF;
	p2 =	slt.u32 s8, $0xFFFFF086  }
0x1c: {  	p1 =	slt.u32 s9, $0xF7A;
	s5 =	simm.s32 @!p2 $0x0  }
0x1d: {  	s5 =	simm.s32 @p1 $0x1;
	p0 =	seq.s32 s7, s2  }
0x1e: {  	s7 =	smul.u32 @!p0 $0xF7A, s2;
	p2 =	seq.s32 @!p0 s5, $0x0  }
0x1f: {  	s9 =	smul.u32 $0xF7A, s1;
	s8 =	simm.s32 @!p0 $0x1BF5;
	p2 =	por !p2, p0  }
0x20: {  	[sflag:s8] =	ssyncset.s32 @!p0 $0xFFFFF086;
	s6 =	sadd.s32 @!p0 s3, s7;
	s7 =	simm.s32 @!p0 $0x108  }
0x21: {  	s3 =	sadd.s32 s3, s9;
	s6 =	sadd.s32 @!p0 $0x88, s6;
	s7 =	simm.s32 @p2 $0x1082  }
0x22: {  	[simem:s7], [sflag:s8] =	dma.local @!p0 [hbm:s6], $0xF7A  }
0x23: {  	s9 =	sor.u32 $0xD0000000, s2;
	s6 =	simm.s32 $0x108;
	_ =	swait.ge @!p0 [sflag:s8], $0x0  }
0x24: {  	s3 =	sadd.s32 $0x88, s3;
	s6 =	simm.s32 @!p1 $0x1082;
	[sflag:s4] =	ssyncset.s32 $0xFFFFF086  }
0x25: {  	[simem:s6], [sflag:s4] =	dma.local [hbm:s3], $0xF7A  }
0x26: {  	[smem:$0x3F82] =	sst s1;
	(tag) =	ssettag s2;
	_ =	strace s9  }
0x27: {  	s1 =	sld [smem:$0x3F92]  }
0x28: {  	s2 =	sld [smem:$0x3F93]  }
0x29: {  	s4 =	sld [smem:$0x3F95]  }
0x2a: {  	p0 =	seq.s32 s5, $0x0;
	s5 =	sld [smem:$0x3F96]  }
0x2b: {  	s6 =	sld [smem:$0x3F97]  }
0x2c: {  	s7 =	sld [smem:$0x3F98]  }
0x2d: {  	s3 =	simm.s32 $0x108;
	s8 =	sld [smem:$0x3F99]  }
0x2e: {  	s3 =	simm.s32 @!p0 $0x1082;
	s9 =	sld [smem:$0x3F9A]  }
0x2f: {  	lr =	sadd.s32 s0, s3;
	s0 =	sld [smem:$0x3F91]  }
0x30: {  	s3 =	sld [smem:$0x3F94]  }
0x31: {  	[smem:$0x3F9D] =	sst s10  }
0x32: {  	s10 =	sld [smem:$0x3F9B];
	_ =	sdelay $0x3  }
0x33: {  	p0 =	seq.s32 s10, $0x1;
	s10 =	sld [smem:$0x3F9D];
	_ =	sdelay $0x3  }
0x34: {  	[smem:$0x3F9D] =	sst s10  }
0x35: {  	s10 =	sld [smem:$0x3F9C];
	_ =	sdelay $0x3  }
0x36: {  	p1 =	seq.s32 s10, $0x1;
	s10 =	sld [smem:$0x3F9D];
	_ =	sdelay $0x3  }
0x37: {  	[smem:$0x3F9D] =	sst s10  }
0x38: {  	s10 =	sld [smem:$0x3F9E]  }
0x39: {  	_ = 	snop;
	(pc) =	sbr.ind lr, $3  }
0x3a: {  	_ = 	snop  }
0x3b: {  	_ = 	snop  }
0x3c: {  	p2 =	seq.s32 s10, $0x1;
	s10 =	sld [smem:$0x3F9D]  }
0x3d: {  	_ =	shalt  }
0x3e: {  	_ =	shalt  }
0x3f: {  	_ =	shalt  }
0x40: {  	_ =	shalt  }
0x41: {  	_ =	shalt  }
0x42: {  	_ =	shalt  }
0x43: {  	_ =	shalt  }
0x44: {  	_ =	shalt  }
0x45: {  	_ =	shalt  }
0x46: {  	_ =	shalt  }
0x47: {  	_ =	shalt  }
0x48: {  	_ =	shalt  }
0x49: {  	_ =	shalt  }
0x4a: {  	_ =	shalt  }
0x4b: {  	_ =	shalt  }
0x4c: {  	_ =	shalt  }
0x4d: {  	_ =	shalt  }
0x4e: {  	_ =	shalt  }
0x4f: {  	_ =	shalt  }
0x50: {  	_ =	shalt  }
0x51: {  	_ =	shalt  }
0x52: {  	_ =	shalt  }
0x53: {  	_ =	shalt  }
0x54: {  	_ =	shalt  }
0x55: {  	_ =	shalt  }
0x56: {  	_ =	shalt  }
0x57: {  	_ =	shalt  }
0x58: {  	_ =	shalt  }
0x59: {  	_ =	shalt  }
0x5a: {  	_ =	shalt  }
0x5b: {  	_ =	shalt  }
0x5c: {  	_ =	shalt  }
0x5d: {  	_ =	shalt  }
0x5e: {  	_ =	shalt  }
0x5f: {  	_ =	shalt  }
0x60: {  	_ =	shalt  }
0x61: {  	_ =	shalt  }
0x62: {  	_ =	shalt  }
0x63: {  	_ =	shalt  }
0x64: {  	_ =	shalt  }
0x65: {  	_ =	shalt  }
0x66: {  	_ =	shalt  }
0x67: {  	_ =	shalt  }
0x68: {  	_ =	shalt  }
0x69: {  	_ =	shalt  }
0x6a: {  	_ =	shalt  }
0x6b: {  	_ =	shalt  }
0x6c: {  	_ =	shalt  }
0x6d: {  	_ =	shalt  }
0x6e: {  	_ =	shalt  }
0x6f: {  	_ =	shalt  }
0x70: {  	_ =	shalt  }
0x71: {  	_ =	shalt  }
0x72: {  	_ =	shalt  }
0x73: {  	_ =	shalt  }
0x74: {  	_ =	shalt  }
0x75: {  	_ =	shalt  }
0x76: {  	_ =	shalt  }
0x77: {  	_ =	shalt  }
0x78: {  	_ =	shalt  }
0x79: {  	_ =	shalt  }
0x7a: {  	_ =	shalt  }
0x7b: {  	_ =	shalt  }
0x7c: {  	_ =	shalt  }
0x7d: {  	_ =	shalt  }
0x7e: {  	_ =	shalt  }
0x7f: {  	_ =	shalt  }
0x80: {  	_ =	shalt  }
0x81: {  	_ =	shalt  }
0x82: {  	_ =	shalt  }
0x83: {  	_ =	shalt  }
0x84: {  	_ =	shalt  }
0x85: {  	_ =	shalt  }
0x86: {  	_ =	shalt  }
0x87: {  	_ =	shalt  }
.Lfunc_end0:
.L_simem_size_0:
called_computation_lowered:
.L_overlay_start_0:
0x88: {  	s2 =	sld [smem:$0x3FD9]  }
0x89: {  	s3 =	sld [smem:$0x3FFE];
	_ =	sdelay $0x1  }
0x8a: {  	s1 =	srdreg.scid  }
0x8b: {  	s0 =	sand.u32 $0x1, s1  }
0x8c: {  	s17 =	sshll.u32 s0, $0xA;
	s2 =	sadd.s32 s3, s2  }
0x8d: {  	s2 =	sadd.s32 s2, s17  }
0x8e: {  	[smem:$0x3FA9] =	sst s2  }
0x8f: {  	_ = 	snop  }
0x90: {  	s2 =	sld [smem:$0x3FD0];
	(tm) =	ssettm $0x1  }
0x91: {  	s18 =	sld [smem:$0x3FFB];
	_ =	sdelay $0x3  }
0x92: {  	_ =	strace s18  }
0x93: {  	s3 =	sld [smem:$0x3FFC];
	_ =	sdelay $0x3  }
0x94: {  	_ =	strace s3  }
0x95: {  	s3 =	sld [smem:$0x3FFD];
	_ =	sdelay $0x3  }
0x96: {  	_ =	strace s3  }
0x97: {  	_ =	strace $0x8FFFFFFF  }
0x98: {  	s19 =	sld [smem:$0x3FDB];
	_ =	sdelay $0x1  }
0x99: {  	s4 =	simm.s32 $_scs_section_size  }
0x9a: {  	s5 =	simm.s32 $_size__tile_overlayer_lowered;
	s6 =	simm.s32 $_tile_overlayer_lowered  }
0x9b: {  	s22 =	simm.s32 $0x1BFF;
	s21 =	sshll.u32 s6, $0x1;
	s3 =	sadd.s32 s4, s19  }
0x9c: {  	s7 =	simm.s32 $0x0;
	s20 =	sshll.u32 s5, $0x1;
	s5 =	sadd.s32 s21, s3  }
0x9d: {  	[timem:s7], [sflag:s22] =	dma.local [hbm:s5], s20  }
0x9e: {  	_ =	swait.ge [sflag:s22], s20  }
0x9f: {  	s4 =	ssub.s32 $0x0, s20;
	[sflag:s22] =	ssyncset.done $0x0  }
0xa0: {  	[sflag:s22] =	ssyncadd.s32 s4;
	_ =	sdelay $0x1  }
0xa1: {  	s23 =	simm.s32 $0x1B8B  }
0xa2: {  	_ =	swait.ge [sflag:s23], $0x1  }
0xa3: {  	[sflag:s23] =	ssyncset.done $0x0  }
0xa4: {  	s25 =	simm.s32 $0x1B8E;
	s24 =	sld [smem:$0x3FFE];
	[sflag:s23] =	ssyncadd.s32 $0xFFFFFFFF  }
0xa5: {  	s26 =	simm.s32 $execute0_lowered;
	[smem:$0x3FD2] =	sst s25  }
0xa6: {  	s5 =	sshll.u32 s26, $0x1;
	_ =	strace $0x80000046;
	[dreg:$0x1] =	wrdreg $0xFFFFFFFF  }
0xa7: {  	s28 =	simm.s32 $_size_execute0_lowered;
	s3 =	sadd.s32 s3, s5;
	[dreg:$0x0] =	wrdreg $0x0  }
0xa8: {  	s5 =	sshll.u32 s28, $0x1;
	[dreg:$0x2] =	wrdreg s3  }
0xa9: {  	[dreg:$0x3] =	wrdreg s5  }
0xaa: {  	[dreg:$0x4] =	wrdreg $0xC0  }
0xab: {  	_ =	task [dreg:s7], $0x5FFFF  }
0xac: {  	[dreg:$0x1] =	wrdreg $0xFFFFFFFF  }
0xad: {  	[dreg:$0x0] =	wrdreg $0x60  }
0xae: {  	[dreg:$0x2] =	wrdreg s24  }
0xaf: {  	[dreg:$0x3] =	wrdreg s2  }
0xb0: {  	[dreg:$0x4] =	wrdreg $0x2B000  }
0xb1: {  	[dreg:$0x5] =	wrdreg $0x9  }
0xb2: {  	_ =	task.clear_ibuf [dreg:s7], $0x6FFFF;
	_ =	strace $0x90000046  }
0xb3: {  	s29 =	simm.s32 $0x9;
	_ =	strace $0x80000048  }
0xb4: {  	_ =	swait.ge [sflag:s29], $0x1  }
0xb5: {  	[sflag:s29] =	ssyncadd.s32 $0xFFFFFFFF  }
0xb6: {  	_ =	strace $0x90000048  }
0xb7: {  	_ =	sfence  }
0xb8: {  	s30 =	sld [smem:$0x0];
	_ =	sdelay $0x2  }
0xb9: {  	s31 =	sshll.u32 s1, $0xD;
	s1 =	sshrl.u32 s1, $0x2  }
0xba: {  	s3 =	sand.u32 $0x4000, s31;
	s1 =	sadd.s32 s1, s30  }
0xbb: {  	s0 =	sor.u32 s3, s0;
	s1 =	sshll.u32 s1, $0x11  }
0xbc: {  	s0 =	sor.u32 s1, s0  }
0xbd: {  	s0 =	sadd.s32 $0x8F2B, s0  }
0xbe: {  	[sflag:s0] =	ssyncadd.remote.s32 $0x1  }
0xbf: {  	_ =	sfence.sel $0xFFFF  }
0xc0: {  	[dreg:$0x0] =	wrdreg $0xFFFFFFFF;
	(pc) =	sbr.abs _section_cstart, $3  }
0xc1: {  	[dreg:$0x1] =	wrdreg $0xFFFFFFFF  }
0xc2: {  	_ =	task.clear_ibuf [dreg:s7], $0x2FFFF;
	_ =	strace $0x9FFFFFFF  }
0xc3: {  	(tm) =	ssettm $0x7FFFFFFF  }
tec
execute0_lowered:
.L_overlay_start_1:
0x0: {  	(tag) =	ssettag $0x1  }
0x1: {  	s4 =	rddreg [dreg:$0x0]  }
0x2: {  	s6 =	rddreg [dreg:$0x1]  }
0x3: {  	s0 =	srdreg.scid;
	s2 =	rddreg [dreg:$0x2]  }
0x4: {  	s3 =	simm.s32 $0x0;
	s11 =	simm.s32 $0x2800;
	s14 =	simm.s32 $0x20  }
0x5: {  	s15 =	simm.s32 $0x10;
	s5 =	sand.u32 $0x1, s0;
	s0 =	stileid.u32  }
0x6: {  	s16 =	simm.s32 $0x0;
	[smem:$0x7FF] =	sst s3;
	s8 =	smul.u32 $0xA00, s0  }
0x7: {  	s1 =	sshll.u32 s5, $0x4;
	s9 =	ssub.s32 $0x2, s5;
	s10 =	smul.u32 $0x500, s0  }
0x8: {  	s5 =	sshll.u32 s5, $0x7;
	s12 =	sshll.u32 s0, $0x6;
	s7 =	sor.u32 s0, s1  }
0x9: {  	s1 =	rddreg [dreg:$0x3];
	_ =	strace $0x80000047;
	s28 =	sshrl.u32 s9, $0x1  }
0xa: {  	s12 =	sor.u32 $0x1C01, s12;
	s7 =	smul.u32 $0x500, s7;
	s9 =	ssub.s32 s9, s28  }
0xb: {  	s29 =	sshrl.u32 s8, $0x2;
	s30 =	sor.u32 s5, s10;
	s8 =	simm.s32 $0x2880  }
0xc: {  	s10 =	simm.s32 $0x80;
	s31 =	sshrl.u32 s30, $0x3;
	s7 =	sadd.s32 s7, s4  }
0xd: {  	s4 =	sadd.s32 s29, s2;
	s6 =	sadd.s32 s6, s31;
	s5 =	sadd.s32 $0x4200, s7  }
0xe: {  	v0 =	vimm.f32 $1.000000000e+00;
	v1 =	vimm.f32 $0.0e+00;
	s7 =	smax.u32 s9, $0x1;
	s9 =	simm.s32 $0x1;
	s13 =	sshrl.u32 s4, $0x3  }
.LBB2_1:
0xf: {  	[tilespmem:$0x2800] =	vst v0  }
0x10: {  	[tilespmem:$0x2810] =	vst v0  }
0x11: {  	[tilespmem:$0x2820] =	vst v0  }
0x12: {  	[tilespmem:$0x2830] =	vst v0  }
0x13: {  	[tilespmem:$0x2840] =	vst v0  }
0x14: {  	[tilespmem:$0x2850] =	vst v0  }
0x15: {  	[tilespmem:$0x2860] =	vst v0  }
0x16: {  	[tilespmem:$0x2870] =	vst v0  }
0x17: {  	[tilespmem:$0x2880] =	vst v1  }
0x18: {  	[tilespmem:$0x2890] =	vst v1  }
0x19: {  	[tilespmem:$0x28A0] =	vst v1  }
0x1a: {  	[tilespmem:$0x28B0] =	vst v1  }
0x1b: {  	[tilespmem:$0x28C0] =	vst v1  }
0x1c: {  	[tilespmem:$0x28D0] =	vst v1  }
0x1d: {  	[tilespmem:$0x28E0] =	vst v1  }
0x1e: {  	[tilespmem:$0x28F0] =	vst v1  }
0x1f: {  	[tilespmem:$0x2900] =	vst v1  }
0x20: {  	[tilespmem:$0x2910] =	vst v1  }
0x21: {  	[tilespmem:$0x2920] =	vst v1  }
0x22: {  	[tilespmem:$0x2930] =	vst v1  }
0x23: {  	[tilespmem:$0x2940] =	vst v1  }
0x24: {  	[tilespmem:$0x2950] =	vst v1  }
0x25: {  	[tilespmem:$0x2960] =	vst v1  }
0x26: {  	[tilespmem:$0x2970] =	vst v1  }
0x27: {  	[tilespmem:$0x2980] =	vst v1  }
0x28: {  	[tilespmem:$0x2990] =	vst v1  }
0x29: {  	[tilespmem:$0x29A0] =	vst v1  }
0x2a: {  	[tilespmem:$0x29B0] =	vst v1  }
0x2b: {  	[tilespmem:$0x29C0] =	vst v1  }
0x2c: {  	[tilespmem:$0x29D0] =	vst v1  }
0x2d: {  	[tilespmem:$0x29E0] =	vst v1  }
0x2e: {  	[tilespmem:$0x29F0] =	vst v1  }
0x2f: {  	[tilespmem:$0x2A00] =	vst v1  }
0x30: {  	[tilespmem:$0x2A10] =	vst v1  }
0x31: {  	[tilespmem:$0x2A20] =	vst v1  }
0x32: {  	[tilespmem:$0x2A30] =	vst v1  }
0x33: {  	[tilespmem:$0x2A40] =	vst v1  }
0x34: {  	[tilespmem:$0x2A50] =	vst v1  }
0x35: {  	[tilespmem:$0x2A60] =	vst v1  }
0x36: {  	[tilespmem:$0x2A70] =	vst v1  }
0x37: {  	[tilespmem:$0x2A80] =	vst v1  }
0x38: {  	[tilespmem:$0x2A90] =	vst v1  }
0x39: {  	[tilespmem:$0x2AA0] =	vst v1  }
0x3a: {  	[tilespmem:$0x2AB0] =	vst v1  }
0x3b: {  	[tilespmem:$0x2AC0] =	vst v1  }
0x3c: {  	[tilespmem:$0x2AD0] =	vst v1  }
0x3d: {  	[tilespmem:$0x2AE0] =	vst v1  }
0x3e: {  	[tilespmem:$0x2AF0] =	vst v1  }
0x3f: {  	[spmem:s4] =	stream.linear.scatter [tilespmem:s8], [sflag:$0x1], $0x280, $0x38;
	[tilespmem:$0x2D80] =	vst v63  }
0x40: {  	_ =	swait.ge [sflag:s9], $0x280  }
0x41: {  	[sflag:s9] =	ssyncset.done $0x0  }
0x42: {  	[sflag:s9] =	ssyncadd.s32 $0xFFFFFD80  }
0x43: {  	[tilespmem:s3], [sflag:$0x1] =	stream.linear.gather [hbm4b:s5+s3], $0x2800, $0x38;
	[tilespmem:$0x2D80] =	vst v63  }
0x44: {  	_ =	swait.ge [sflag:s9], $0x2800  }
0x45: {  	[sflag:s9] =	ssyncset.done $0x0  }
0x46: {  	[sflag:s9] =	ssyncadd.s32 $0xFFFFD800  }
0x47: {  	s17 =	simm.s32 $0x0;
	[bflag:$0x0] =	sbarrier.arrive $0xFFFF  }
0x48: {  	[spmem:s2] =	stream.indirect.scatter.add.f32 [tilespmem:s11], [sflag:$0x1], $0x1, s17, s10, $0xb8;
	[tilespmem:$0x2D80] =	vst v63  }
0x49: {  	_ =	swait.ge [sflag:s9], $0x80  }
0x4a: {  	s17 =	simm.s32 $0x200;
	[sflag:s9] =	ssyncset.done $0x0  }
.LBB2_2:
0x4b: {  	s18 =	sshra.s32 s17, $0x2;
	[sflag:s9] =	ssyncadd.s32 $0xFFFFFF80;
	p0 =	sne.s32 s17, $0x9E00  }
0x4c: {  	[spmem:s2] =	stream.indirect.scatter.add.f32 [tilespmem:s11], [sflag:$0x1], $0x1, s18, s10, $0xb8;
	[tilespmem:$0x2D80] =	vst v63  }
.Ltmp0:
0x4d: {  	_ = 	snop;
	(pc) =	sbr.rel @p0 .LBB2_2-.Ltmp0, $4  }
0x4e: {  	_ = 	snop  }
0x4f: {  	s17 =	sadd.s32 $0x200, s17  }
0x50: {  	_ =	swait.ge [sflag:s9], $0x80  }
0x51: {  	[sflag:s9] =	ssyncset.done $0x0  }
0x52: {  	s16 =	sadd.s32 $0x1, s16  }
0x53: {  	[sflag:s9] =	ssyncadd.s32 $0xFFFFFF80;
	p0 =	sne.s32 s16, s7  }
.Ltmp1:
0x54: {  	[bflag:$0x0] =	sbarrier.arrive $0xFFFF;
	(pc) =	sbr.rel @p0 .LBB2_1-.Ltmp1, $4  }
0x55: {  	[hbm:s6@s14], [sflag:s12] =	dma.strided [spmem:s13@s15], $0x50, s9, $0x10   }
0x56: {  	_ =	swait.ge [sflag:s9], $0x50  }
0x57: {  	[sflag:s9] =	ssyncset.done $0x0  }
0x58: {  	[sflag:s9] =	ssyncadd.s32 $0xFFFFFFB0  }
0x59: {  	_ =	sfence.sel $0x180000  }
0x5a: {  	[bflag:$0x0] =	sbarrier.arrive $0xFFFF  }
0x5b: {  	p0 =	sne.s32 s0, $0x0;
	_ =	strace $0x90000047  }
0x5c: {  	s0 =	sadd.s32 @!p0 $0x100000, s1;
	[bflag:$0x2] =	sbarrier.arrive $0xFFFF  }
0x5d: {  	[sflag:s0] =	ssyncadd.tile.s32 @!p0 $0x1;
	_ =	shalt  }
.Lfunc_end2:
_tile_overlayer_lowered:
.L_overlay_start_2:
0x5e: {  	(tag) =	ssettag $0x2  }
0x5f: {  	s0 =	rddreg [dreg:$0x0];
	s2 =	stileid.u32  }
0x60: {  	s1 =	rddreg [dreg:$0x1];
	p0 =	sne.s32 s2, $0x0  }
0x61: {  	s3 =	rddreg [dreg:$0x2];
	[bflag:$0x3] =	sbarrier.arrive $0xFFFF;
	s2 =	simm.s32 @!p0 $0x1C01  }
0x62: {  	[timem:s3], [sflag:s2] =	dma.local @!p0 [hbm:s0], s1  }
0x63: {  	s0 =	simm.s32 @!p0 $0x1  }
0x64: {  	_ =	swait.ge @!p0 [sflag:s0], s1  }
0x65: {  	s1 =	ssub.s32 @!p0 $0x0, s1;
	[sflag:s0] =	ssyncset.done @!p0 $0x0  }
0x66: {  	[sflag:s0] =	ssyncadd.s32 @!p0 s1  }
0x67: {  	[bflag:$0x3] =	sbarrier.arrive $0xFFFF  }
0x68: {  	_ =	shalt  }

// kernel: kernel.9.cloned.1.call-start
scs
__scs_entry_jumppad:
0x0: {  	(pc) =	sbr.rel $0x88, $3  }
0x1: {  	(tag) =	ssettag $0x0;
	lr =	simm.s32 $0x1  }
0x2: {  	[smem:$0x3F82] =	sst lr;
	_ =	strace $0xD0000000  }
0x3: {  	_ = 	snop  }
0x4: {  	_ = 	snop  }
0x5: {  	_ = 	snop  }
0x6: {  	_ = 	snop  }
0x7: {  	_ = 	snop  }
__scs_overlays_trampoline_lowered:
0x8: {  	[smem:$0x3F91] =	sst s0  }
0x9: {  	[smem:$0x3F92] =	sst s1  }
0xa: {  	[smem:$0x3F93] =	sst s2  }
0xb: {  	[smem:$0x3F94] =	sst s3  }
0xc: {  	[smem:$0x3F95] =	sst s4  }
0xd: {  	[smem:$0x3F96] =	sst s5  }
0xe: {  	[smem:$0x3F97] =	sst s6  }
0xf: {  	[smem:$0x3F98] =	sst s7  }
0x10: {  	[smem:$0x3F99] =	sst s8  }
0x11: {  	[smem:$0x3F9A] =	sst s9;
	s0 =	simm.s32 @!p0 $0x0  }
0x12: {  	s1 =	sld [smem:$0x3F80];
	s0 =	simm.s32 @p0 $0x1  }
0x13: {  	[smem:$0x3F9B] =	sst s0;
	s0 =	simm.s32 @!p1 $0x0  }
0x14: {  	s2 =	sld [smem:$0x3F7F];
	s0 =	simm.s32 @p1 $0x1  }
0x15: {  	[smem:$0x3F9C] =	sst s0;
	s0 =	simm.s32 @!p2 $0x0  }
0x16: {  	s3 =	sld [smem:$0x3FDB];
	s0 =	simm.s32 @p2 $0x1  }
0x17: {  	s4 =	simm.s32 $0x1BF5;
	[smem:$0x3F9E] =	sst s0  }
0x18: {  	s0 =	sld [smem:$0x3F81];
	_ =	swait.ge [sflag:s4], $0x0  }
0x19: {  	s7 =	sld [smem:$0x3F82]  }
0x1a: {  	s8 =	sadd.s32 $0xFFFFE003, lr  }
0x1b: {  	s9 =	sadd.s32 $0xFFFFFEF7, lr;
	s5 =	simm.s32 $0xFFFFFFFF;
	p2 =	slt.u32 s8, $0xFFFFF086  }
0x1c: {  	p1 =	slt.u32 s9, $0xF7A;
	s5 =	simm.s32 @!p2 $0x0  }
0x1d: {  	s5 =	simm.s32 @p1 $0x1;
	p0 =	seq.s32 s7, s2  }
0x1e: {  	s7 =	smul.u32 @!p0 $0xF7A, s2;
	p2 =	seq.s32 @!p0 s5, $0x0  }
0x1f: {  	s9 =	smul.u32 $0xF7A, s1;
	s8 =	simm.s32 @!p0 $0x1BF5;
	p2 =	por !p2, p0  }
0x20: {  	[sflag:s8] =	ssyncset.s32 @!p0 $0xFFFFF086;
	s6 =	sadd.s32 @!p0 s3, s7;
	s7 =	simm.s32 @!p0 $0x108  }
0x21: {  	s3 =	sadd.s32 s3, s9;
	s6 =	sadd.s32 @!p0 $0x88, s6;
	s7 =	simm.s32 @p2 $0x1082  }
0x22: {  	[simem:s7], [sflag:s8] =	dma.local @!p0 [hbm:s6], $0xF7A  }
0x23: {  	s9 =	sor.u32 $0xD0000000, s2;
	s6 =	simm.s32 $0x108;
	_ =	swait.ge @!p0 [sflag:s8], $0x0  }
0x24: {  	s3 =	sadd.s32 $0x88, s3;
	s6 =	simm.s32 @!p1 $0x1082;
	[sflag:s4] =	ssyncset.s32 $0xFFFFF086  }
0x25: {  	[simem:s6], [sflag:s4] =	dma.local [hbm:s3], $0xF7A  }
0x26: {  	[smem:$0x3F82] =	sst s1;
	(tag) =	ssettag s2;
	_ =	strace s9  }
0x27: {  	s1 =	sld [smem:$0x3F92]  }
0x28: {  	s2 =	sld [smem:$0x3F93]  }
0x29: {  	s4 =	sld [smem:$0x3F95]  }
0x2a: {  	p0 =	seq.s32 s5, $0x0;
	s5 =	sld [smem:$0x3F96]  }
0x2b: {  	s6 =	sld [smem:$0x3F97]  }
0x2c: {  	s7 =	sld [smem:$0x3F98]  }
0x2d: {  	s3 =	simm.s32 $0x108;
	s8 =	sld [smem:$0x3F99]  }
0x2e: {  	s3 =	simm.s32 @!p0 $0x1082;
	s9 =	sld [smem:$0x3F9A]  }
0x2f: {  	lr =	sadd.s32 s0, s3;
	s0 =	sld [smem:$0x3F91]  }
0x30: {  	s3 =	sld [smem:$0x3F94]  }
0x31: {  	[smem:$0x3F9D] =	sst s10  }
0x32: {  	s10 =	sld [smem:$0x3F9B];
	_ =	sdelay $0x3  }
0x33: {  	p0 =	seq.s32 s10, $0x1;
	s10 =	sld [smem:$0x3F9D];
	_ =	sdelay $0x3  }
0x34: {  	[smem:$0x3F9D] =	sst s10  }
0x35: {  	s10 =	sld [smem:$0x3F9C];
	_ =	sdelay $0x3  }
0x36: {  	p1 =	seq.s32 s10, $0x1;
	s10 =	sld [smem:$0x3F9D];
	_ =	sdelay $0x3  }
0x37: {  	[smem:$0x3F9D] =	sst s10  }
0x38: {  	s10 =	sld [smem:$0x3F9E]  }
0x39: {  	_ = 	snop;
	(pc) =	sbr.ind lr, $3  }
0x3a: {  	_ = 	snop  }
0x3b: {  	_ = 	snop  }
0x3c: {  	p2 =	seq.s32 s10, $0x1;
	s10 =	sld [smem:$0x3F9D]  }
0x3d: {  	_ =	shalt  }
0x3e: {  	_ =	shalt  }
0x3f: {  	_ =	shalt  }
0x40: {  	_ =	shalt  }
0x41: {  	_ =	shalt  }
0x42: {  	_ =	shalt  }
0x43: {  	_ =	shalt  }
0x44: {  	_ =	shalt  }
0x45: {  	_ =	shalt  }
0x46: {  	_ =	shalt  }
0x47: {  	_ =	shalt  }
0x48: {  	_ =	shalt  }
0x49: {  	_ =	shalt  }
0x4a: {  	_ =	shalt  }
0x4b: {  	_ =	shalt  }
0x4c: {  	_ =	shalt  }
0x4d: {  	_ =	shalt  }
0x4e: {  	_ =	shalt  }
0x4f: {  	_ =	shalt  }
0x50: {  	_ =	shalt  }
0x51: {  	_ =	shalt  }
0x52: {  	_ =	shalt  }
0x53: {  	_ =	shalt  }
0x54: {  	_ =	shalt  }
0x55: {  	_ =	shalt  }
0x56: {  	_ =	shalt  }
0x57: {  	_ =	shalt  }
0x58: {  	_ =	shalt  }
0x59: {  	_ =	shalt  }
0x5a: {  	_ =	shalt  }
0x5b: {  	_ =	shalt  }
0x5c: {  	_ =	shalt  }
0x5d: {  	_ =	shalt  }
0x5e: {  	_ =	shalt  }
0x5f: {  	_ =	shalt  }
0x60: {  	_ =	shalt  }
0x61: {  	_ =	shalt  }
0x62: {  	_ =	shalt  }
0x63: {  	_ =	shalt  }
0x64: {  	_ =	shalt  }
0x65: {  	_ =	shalt  }
0x66: {  	_ =	shalt  }
0x67: {  	_ =	shalt  }
0x68: {  	_ =	shalt  }
0x69: {  	_ =	shalt  }
0x6a: {  	_ =	shalt  }
0x6b: {  	_ =	shalt  }
0x6c: {  	_ =	shalt  }
0x6d: {  	_ =	shalt  }
0x6e: {  	_ =	shalt  }
0x6f: {  	_ =	shalt  }
0x70: {  	_ =	shalt  }
0x71: {  	_ =	shalt  }
0x72: {  	_ =	shalt  }
0x73: {  	_ =	shalt  }
0x74: {  	_ =	shalt  }
0x75: {  	_ =	shalt  }
0x76: {  	_ =	shalt  }
0x77: {  	_ =	shalt  }
0x78: {  	_ =	shalt  }
0x79: {  	_ =	shalt  }
0x7a: {  	_ =	shalt  }
0x7b: {  	_ =	shalt  }
0x7c: {  	_ =	shalt  }
0x7d: {  	_ =	shalt  }
0x7e: {  	_ =	shalt  }
0x7f: {  	_ =	shalt  }
0x80: {  	_ =	shalt  }
0x81: {  	_ =	shalt  }
0x82: {  	_ =	shalt  }
0x83: {  	_ =	shalt  }
0x84: {  	_ =	shalt  }
0x85: {  	_ =	shalt  }
0x86: {  	_ =	shalt  }
0x87: {  	_ =	shalt  }
.Lfunc_end0:
.L_simem_size_0:
called_computation.1_lowered:
.L_overlay_start_0:
0x88: {  	s2 =	sld [smem:$0x3FD9]  }
0x89: {  	s3 =	sld [smem:$0x3FFE];
	_ =	sdelay $0x1  }
0x8a: {  	s1 =	srdreg.scid  }
0x8b: {  	s0 =	sand.u32 $0x1, s1  }
0x8c: {  	s16 =	sshll.u32 s0, $0xA;
	s2 =	sadd.s32 s3, s2  }
0x8d: {  	s2 =	sadd.s32 s2, s16  }
0x8e: {  	[smem:$0x3FA9] =	sst s2  }
0x8f: {  	_ = 	snop  }
0x90: {  	(tm) =	ssettm $0x1  }
0x91: {  	s17 =	sld [smem:$0x3FFB];
	_ =	sdelay $0x3  }
0x92: {  	_ =	strace s17  }
0x93: {  	s2 =	sld [smem:$0x3FFC];
	_ =	sdelay $0x3  }
0x94: {  	_ =	strace s2  }
0x95: {  	s2 =	sld [smem:$0x3FFD];
	_ =	sdelay $0x3  }
0x96: {  	_ =	strace s2  }
0x97: {  	_ =	strace $0x8FFFFFFF  }
0x98: {  	s18 =	sld [smem:$0x3FDB];
	_ =	sdelay $0x1  }
0x99: {  	s19 =	simm.s32 $_scs_section_size  }
0x9a: {  	s4 =	simm.s32 $_size__tile_overlayer_lowered;
	s5 =	simm.s32 $_tile_overlayer_lowered  }
0x9b: {  	s22 =	simm.s32 $0x1BFF;
	s21 =	sshll.u32 s5, $0x1;
	s2 =	sadd.s32 s19, s18  }
0x9c: {  	s6 =	simm.s32 $0x0;
	s20 =	sshll.u32 s4, $0x1;
	s4 =	sadd.s32 s21, s2  }
0x9d: {  	[timem:s6], [sflag:s22] =	dma.local [hbm:s4], s20  }
0x9e: {  	_ =	swait.ge [sflag:s22], s20  }
0x9f: {  	s3 =	ssub.s32 $0x0, s20;
	[sflag:s22] =	ssyncset.done $0x0  }
0xa0: {  	[sflag:s22] =	ssyncadd.s32 s3;
	_ =	sdelay $0x1  }
0xa1: {  	s23 =	simm.s32 $0x1B8B  }
0xa2: {  	_ =	swait.ge [sflag:s23], $0x1  }
0xa3: {  	[sflag:s23] =	ssyncset.done $0x0  }
0xa4: {  	s25 =	simm.s32 $0x1B8E;
	s24 =	sld [smem:$0x3FFE];
	[sflag:s23] =	ssyncadd.s32 $0xFFFFFFFF  }
0xa5: {  	s26 =	simm.s32 $execute0_lowered;
	[smem:$0x3FD2] =	sst s25  }
0xa6: {  	s4 =	sshll.u32 s26, $0x1;
	_ =	strace $0x80000049;
	[dreg:$0x1] =	wrdreg $0xFFFFFFFF  }
0xa7: {  	s28 =	simm.s32 $_size_execute0_lowered;
	s2 =	sadd.s32 s2, s4;
	[dreg:$0x0] =	wrdreg $0x0  }
0xa8: {  	s4 =	sshll.u32 s28, $0x1;
	[dreg:$0x2] =	wrdreg s2  }
0xa9: {  	[dreg:$0x3] =	wrdreg s4  }
0xaa: {  	[dreg:$0x4] =	wrdreg $0xC0  }
0xab: {  	_ =	task [dreg:s6], $0x5FFFF  }
0xac: {  	[dreg:$0x1] =	wrdreg $0xFFFFFFFF  }
0xad: {  	[dreg:$0x0] =	wrdreg $0x60  }
0xae: {  	[dreg:$0x2] =	wrdreg s24  }
0xaf: {  	[dreg:$0x3] =	wrdreg $0x60000  }
0xb0: {  	[dreg:$0x4] =	wrdreg $0x9  }
0xb1: {  	_ =	task.clear_ibuf [dreg:s6], $0x5FFFF;
	_ =	strace $0x90000049  }
0xb2: {  	s29 =	simm.s32 $0x9;
	_ =	strace $0x8000004B  }
0xb3: {  	_ =	swait.ge [sflag:s29], $0x1  }
0xb4: {  	[sflag:s29] =	ssyncadd.s32 $0xFFFFFFFF  }
0xb5: {  	_ =	strace $0x9000004B  }
0xb6: {  	_ =	sfence  }
0xb7: {  	s30 =	sld [smem:$0x0];
	_ =	sdelay $0x2  }
0xb8: {  	s31 =	sshll.u32 s1, $0xD;
	s1 =	sshrl.u32 s1, $0x2  }
0xb9: {  	s3 =	sand.u32 $0x4000, s31;
	s1 =	sadd.s32 s1, s30  }
0xba: {  	s0 =	sor.u32 s3, s0;
	s1 =	sshll.u32 s1, $0x11  }
0xbb: {  	s0 =	sor.u32 s1, s0  }
0xbc: {  	s0 =	sadd.s32 $0x8F2B, s0  }
0xbd: {  	[sflag:s0] =	ssyncadd.remote.s32 $0x1  }
0xbe: {  	_ =	sfence.sel $0xFFFF  }
0xbf: {  	[dreg:$0x0] =	wrdreg $0xFFFFFFFF;
	(pc) =	sbr.abs _section_cstart, $3  }
0xc0: {  	[dreg:$0x1] =	wrdreg $0xFFFFFFFF  }
0xc1: {  	_ =	task.clear_ibuf [dreg:s6], $0x2FFFF;
	_ =	strace $0x9FFFFFFF  }
0xc2: {  	(tm) =	ssettm $0x7FFFFFFF  }
0xc3: {  	_ =	shalt  }
tec
execute0_lowered:
.L_overlay_start_1:
0x0: {  	(tag) =	ssettag $0x1  }
0x1: {  	s7 =	rddreg [dreg:$0x0]  }
0x2: {  	s1 =	rddreg [dreg:$0x1];
	s2 =	srdreg.scid  }
0x3: {  	s0 =	rddreg [dreg:$0x2];
	s3 =	simm.s32 $0x0;
	s15 =	simm.s32 $0x1000  }
0x4: {  	s16 =	simm.s32 $0x80;
	s17 =	simm.s32 $0x2000;
	s10 =	sand.u32 $0x1, s2  }
0x5: {  	s18 =	simm.s32 $0x1;
	s2 =	stileid.u32;
	s6 =	smul.u32 $0x140000, s10  }
0x6: {  	[smem:$0x7FF] =	sst s3;
	s4 =	sadd.s32 $0x22200, s7;
	s8 =	smul.u32 $0x14000, s2  }
0x7: {  	s5 =	sadd.s32 $0xE200, s7;
	_ =	strace $0x8000004A;
	s9 =	smul.u32 $0x50000, s2  }
0x8: {  	s11 =	ssub.s32 $0x2, s10;
	s31 =	sshll.u32 s2, $0x6;
	s10 =	smul.u32 $0x50000, s10  }
0x9: {  	s29 =	sshrl.u32 s11, $0x1;
	s8 =	sadd.s32 s8, s6;
	s6 =	sadd.s32 $0x4200, s7  }
0xa: {  	s30 =	sshrl.u32 s9, $0x2;
	s13 =	ssub.s32 s11, s29;
	s8 =	sshrl.u32 s8, $0x3  }
0xb: {  	s9 =	smul.u32 $0x5000, s2;
	s14 =	sadd.s32 s30, s1;
	s12 =	sadd.s32 s8, s7  }
0xc: {  	s8 =	sor.u32 $0x1C02, s31;
	s7 =	sadd.s32 $0x175400, s12;
	s11 =	sadd.s32 $0x72200, s12  }
0xd: {  	s12 =	smax.u32 s13, $0x1;
	s13 =	sshrl.u32 s14, $0x3;
	s14 =	simm.s32 $0x2  }
.LBB2_1:
0xe: {  	[spmem:s13], [sflag:s8] =	dma.local [hbm:s7], $0x2800  }
0xf: {  	_ =	swait.ge [sflag:s14], $0x2800  }
0x10: {  	[sflag:s14] =	ssyncset.done $0x0  }
0x11: {  	[sflag:s14] =	ssyncadd.s32 $0xFFFFD800  }
0x12: {  	s19 =	simm.s32 $0x0;
	[bflag:$0x0] =	sbarrier.arrive $0xFFFF  }
.LBB2_2:
0x13: {  	s20 =	sshll.u32 s19, $0xC  }
0x14: {  	s20 =	sadd.s32 s9, s20  }
0x15: {  	s21 =	sadd.s32 s10, s20  }
0x16: {  	s21 =	sshrl.u32 s21, $0x3  }
0x17: {  	s22 =	simm.s32 $0x0;
	s21 =	sadd.s32 s5, s21  }
0x18: {  	[tilespmem:s22], [sflag:$0x2] =	stream.linear.gather [hbm4b:s21+s22], $0x1000, $0x38;
	[tilespmem:$0x1A000] =	vst v63  }
0x19: {  	_ =	swait.ge [sflag:s14], $0x1000  }
0x1a: {  	s20 =	sshrl.u32 s20, $0x3;
	[sflag:s14] =	ssyncset.done $0x0  }
0x1b: {  	s20 =	sadd.s32 s6, s20;
	[sflag:s14] =	ssyncadd.s32 $0xFFFFF000  }
0x1c: {  	[tilespmem:s15], [sflag:$0x2] =	stream.linear.gather [hbm4b:s20+s22], $0x1000, $0x38;
	[tilespmem:$0x1A000] =	vst v63  }
0x1d: {  	_ =	swait.ge [sflag:s14], $0x1000  }
0x1e: {  	[sflag:s14] =	ssyncset.done $0x0  }
0x1f: {  	s30 =	simm.s32 $0x0;
	[sflag:s14] =	ssyncadd.s32 $0xFFFFF000  }
0x20: {  	[tilespmem:s17], [sflag:$0x1] =	stream.indirect.gather [hbm4b:s4+s16], $0x80, s30, s16, $0xb8;
	[tilespmem:$0x1A000] =	vst v63  }
0x21: {  	_ =	swait.ge [sflag:s18], $0x4000  }
0x22: {  	[sflag:s18] =	ssyncset.done $0x0  }
0x23: {  	s31 =	simm.s32 $0x1000;
	[sflag:s18] =	ssyncadd.s32 $0xFFFFC000  }
0x24: {  	[spmem:s1] =	stream.indirect.scatter.add.f32 [tilespmem:s17], [sflag:$0x2], $0x80, s31, s16, $0xb8;
	[tilespmem:$0x1A000] =	vst v63  }
0x25: {  	_ =	swait.ge [sflag:s14], $0x4000  }
0x26: {  	s21 =	simm.s32 $0x400;
	s20 =	simm.s32 $0x200;
	[sflag:s14] =	ssyncset.done $0x0  }
.LBB2_3:
0x27: {  	s22 =	sshra.s32 s20, $0x2  }
0x28: {  	[sflag:s14] =	ssyncadd.s32 $0xFFFFC000;
	s20 =	smov.u32 s21;
	s23 =	sadd.s32 $0x200, s21  }
0x29: {  	[tilespmem:s17], [sflag:$0x1] =	stream.indirect.gather [hbm4b:s4+s16], $0x80, s22, s16, $0xb8;
	[tilespmem:$0x1A000] =	vst v63  }
0x2a: {  	p0 =	sne.s32 s21, $0x3E00;
	_ =	swait.ge [sflag:s18], $0x4000  }
.Ltmp0:
0x2b: {  	[sflag:s18] =	ssyncset.done $0x0;
	(pc) =	sbr.rel @p0 .LBB2_3-.Ltmp0, $4  }
0x2c: {  	s21 =	sadd.s32 $0x1000, s22;
	[sflag:s18] =	ssyncadd.s32 $0xFFFFC000  }
0x2d: {  	[spmem:s1] =	stream.indirect.scatter.add.f32 [tilespmem:s17], [sflag:$0x2], $0x80, s21, s16, $0xb8;
	[tilespmem:$0x1A000] =	vst v63  }
0x2e: {  	_ =	swait.ge [sflag:s14], $0x4000  }
0x2f: {  	s21 =	smov.u32 s23;
	[sflag:s14] =	ssyncset.done $0x0  }
0x30: {  	s20 =	sshra.s32 s20, $0x2;
	[sflag:s14] =	ssyncadd.s32 $0xFFFFC000  }
0x31: {  	[tilespmem:s17], [sflag:$0x1] =	stream.indirect.gather [hbm4b:s4+s16], $0x80, s20, s16, $0xb8;
	[tilespmem:$0x1A000] =	vst v63  }
0x32: {  	s19 =	sadd.s32 $0x1, s19;
	_ =	swait.ge [sflag:s18], $0x4000  }
0x33: {  	p0 =	sne.s32 s19, $0x5;
	[sflag:s18] =	ssyncset.done $0x0  }
.Ltmp1:
0x34: {  	s20 =	sadd.s32 $0x1000, s20;
	[sflag:s18] =	ssyncadd.s32 $0xFFFFC000;
	(pc) =	sbr.rel @p0 .LBB2_2-.Ltmp1, $4  }
0x35: {  	[spmem:s1] =	stream.indirect.scatter.add.f32 [tilespmem:s17], [sflag:$0x2], $0x80, s20, s16, $0xb8;
	[tilespmem:$0x1A000] =	vst v63  }
0x36: {  	_ =	swait.ge [sflag:s14], $0x4000  }
0x37: {  	[sflag:s14] =	ssyncset.done $0x0  }
0x38: {  	[sflag:s14] =	ssyncadd.s32 $0xFFFFC000  }
0x39: {  	s3 =	sadd.s32 $0x1, s3  }
0x3a: {  	p0 =	sne.s32 s3, s12  }
.Ltmp2:
0x3b: {  	[bflag:$0x0] =	sbarrier.arrive $0xFFFF;
	(pc) =	sbr.rel @p0 .LBB2_1-.Ltmp2, $4  }
0x3c: {  	[hbm:s11], [sflag:s8] =	dma.local [spmem:s13], $0x2800  }
0x3d: {  	_ =	swait.ge [sflag:s14], $0x2800  }
0x3e: {  	[sflag:s14] =	ssyncset.done $0x0  }
0x3f: {  	[sflag:s14] =	ssyncadd.s32 $0xFFFFD800  }
0x40: {  	_ =	sfence.sel $0x180000  }
0x41: {  	[bflag:$0x0] =	sbarrier.arrive $0xFFFF  }
0x42: {  	p0 =	sne.s32 s2, $0x0;
	_ =	strace $0x9000004A  }
0x43: {  	s0 =	sadd.s32 @!p0 $0x100000, s0;
	[bflag:$0x2] =	sbarrier.arrive $0xFFFF  }
0x44: {  	[sflag:s0] =	ssyncadd.tile.s32 @!p0 $0x1;
	_ =	shalt  }
.Lfunc_end2:
_tile_overlayer_lowered:
.L_overlay_start_2:
0x45: {  	(tag) =	ssettag $0x2  }
0x46: {  	s0 =	rddreg [dreg:$0x0];
	s2 =	stileid.u32  }
0x47: {  	s1 =	rddreg [dreg:$0x1];
	p0 =	sne.s32 s2, $0x0  }
0x48: {  	s3 =	rddreg [dreg:$0x2];
	[bflag:$0x3] =	sbarrier.arrive $0xFFFF;
	s2 =	simm.s32 @!p0 $0x1C02  }
0x49: {  	[timem:s3], [sflag:s2] =	dma.local @!p0 [hbm:s0], s1  }
0x4a: {  	s0 =	simm.s32 @!p0 $0x2  }
0x4b: {  	_ =	swait.ge @!p0 [sflag:s0], s1  }
0x4c: {  	s1 =	ssub.s32 @!p0 $0x0, s1;
	[sflag:s0] =	ssyncset.done @!p0 $0x0  }
0x4d: {  	[sflag:s0] =	ssyncadd.s32 @!p0 s1  }
0x4e: {  	[bflag:$0x3] =	sbarrier.arrive $0xFFFF  }
0x4f: {  	_ =	shalt  }

</sc_bundles>
